<compile_context>
chip_gen: v7x
topology: tpu7x:2x2x1
jax: 0.10.2.dev20260603
libtpu: 0.0.44.dev20260713+nightly
codegen_flags: <defaults>
</compile_context>

<pallas_src>
import functools

import jax
import jax.numpy as jnp
from jax import lax
from jax.experimental import pallas as pl
from jax.experimental.pallas import tpu as pltpu
from jax.experimental.pallas import tpu_sc as plsc

N = 10000
E = 320000
D = 128
BN_EPS = 1e-5

NC = 2
NS = 16
NW = NC * NS
CHUNK = 128
SHARE = 10240
FULL_CHUNKS = SHARE // CHUNK
TAIL_SHARE = E - (NW - 1) * SHARE
TAIL_CHUNKS = TAIL_SHARE // CHUNK
PHASE = 40
ROWS_PER_TILE = 624
TAIL_ROWS = N - NS * ROWS_PER_TILE


def _sc_aggregate(x, edge_index):
    mesh = plsc.VectorSubcoreMesh(core_axis_name="c", subcore_axis_name="s",
                                  num_cores=NC, num_subcores=NS)

    @functools.partial(
        pl.kernel,
        out_type=jax.ShapeDtypeStruct((NC, N, D), jnp.float32),
        mesh=mesh,
        scratch_types=[
            pltpu.VMEM_SHARED((N, D), jnp.float32),
            pltpu.VMEM((2, PHASE * CHUNK), jnp.int32),
            pltpu.VMEM((CHUNK,), jnp.int32),
            pltpu.VMEM((2, CHUNK, D), jnp.float32),
            pltpu.SemaphoreType.DMA,
        ],
    )
    def agg_kernel(x_hbm, ei_hbm, out_hbm, acc, em, cbuf, rows_v, gsem):
        c = lax.axis_index("c")
        s = lax.axis_index("s")
        w = c * NS + s
        base = pl.multiple_of(w * SHARE, CHUNK)
        nchunks = jnp.where(w == NW - 1, TAIL_CHUNKS, FULL_CHUNKS)

        r0 = s * ROWS_PER_TILE
        pltpu.sync_copy(x_hbm.at[pl.ds(r0, ROWS_PER_TILE)],
                        acc.at[pl.ds(r0, ROWS_PER_TILE)])

        @pl.when(s == 0)
        def _():
            pltpu.sync_copy(x_hbm.at[pl.ds(NS * ROWS_PER_TILE, TAIL_ROWS)],
                            acc.at[pl.ds(NS * ROWS_PER_TILE, TAIL_ROWS)])

        @pl.when(w < NW - 1)
        def _():
            pltpu.sync_copy(ei_hbm.at[:, pl.ds(base, PHASE * CHUNK)], em)

        @pl.when(w == NW - 1)
        def _():
            pltpu.sync_copy(ei_hbm.at[:, pl.ds(base, TAIL_SHARE)],
                            em.at[:, pl.ds(0, TAIL_SHARE)])

        plsc.subcore_barrier()

        def src_slice(j):
            return em.at[0, pl.ds(pl.multiple_of(lax.rem(j, PHASE) * CHUNK, 8),
                                  CHUNK)]

        pltpu.async_copy(x_hbm.at[src_slice(0)], rows_v.at[0], gsem)

        def body(j, _):
            jp = lax.rem(j, PHASE)
            for k in range(CHUNK // 16):
                cbuf[pl.ds(k * 16, 16)] = em[1, pl.ds(jp * CHUNK + k * 16, 16)]

            @pl.when(j + 1 == PHASE)
            def _():
                pltpu.make_async_copy(x_hbm.at[src_slice(j)],
                                      rows_v.at[lax.rem(j, 2)], gsem).wait()
                pltpu.sync_copy(
                    ei_hbm.at[:, pl.ds(base + PHASE * CHUNK, PHASE * CHUNK)],
                    em)
                pltpu.async_copy(x_hbm.at[src_slice(j + 1)],
                                 rows_v.at[lax.rem(j + 1, 2)], gsem)
                pltpu.sync_copy(rows_v.at[lax.rem(j, 2)], acc.at[cbuf],
                                add=True)

            @pl.when(j + 1 != PHASE)
            def _():
                @pl.when(j + 1 < nchunks)
                def _():
                    pltpu.async_copy(x_hbm.at[src_slice(j + 1)],
                                     rows_v.at[lax.rem(j + 1, 2)], gsem)

                pltpu.make_async_copy(x_hbm.at[src_slice(j)],
                                      rows_v.at[lax.rem(j, 2)], gsem).wait()
                pltpu.sync_copy(rows_v.at[lax.rem(j, 2)], acc.at[cbuf],
                                add=True)
            return 0

        lax.fori_loop(0, nchunks, body, 0)
        plsc.subcore_barrier()

        pltpu.sync_copy(acc.at[pl.ds(r0, ROWS_PER_TILE)],
                        out_hbm.at[c, pl.ds(r0, ROWS_PER_TILE)])

        @pl.when(s == 0)
        def _():
            pltpu.sync_copy(acc.at[pl.ds(NS * ROWS_PER_TILE, TAIL_ROWS)],
                            out_hbm.at[c, pl.ds(NS * ROWS_PER_TILE, TAIL_ROWS)])

    return agg_kernel(x, edge_index)


def _mlp_body(parts_ref, x_ref, w1_ref, b1_ref, gamma_ref, beta_ref, w2_ref,
              b2_ref, out_ref):
    h = parts_ref[0] + parts_ref[1] - x_ref[...]
    h1 = jnp.dot(h, w1_ref[...], preferred_element_type=jnp.float32)
    h1 = h1 + b1_ref[...]
    mean = jnp.mean(h1, axis=0, keepdims=True)
    cent = h1 - mean
    var = jnp.mean(cent * cent, axis=0, keepdims=True)
    hn = gamma_ref[...] * cent * lax.rsqrt(var + BN_EPS) + beta_ref[...]
    hr = jnp.maximum(hn, 0.0)
    out = jnp.dot(hr, w2_ref[...], preferred_element_type=jnp.float32)
    out_ref[...] = out + b2_ref[...]


def kernel(x, edge_index, edge_attr, w1, b1, gamma, beta, w2, b2):
    del edge_attr
    parts = _sc_aggregate(x, edge_index)

    out = pl.pallas_call(
        _mlp_body,
        out_shape=jax.ShapeDtypeStruct((N, D), jnp.float32),
    )(parts, x, w1, b1.reshape(1, D), gamma.reshape(1, D), beta.reshape(1, D),
      w2, b2.reshape(1, D))
    return out

# --- scband reference (transcript-rebuilt; emitter-appended) ---
"""Pipeline reference for scband-ginconv-3942779978099 (READ-ONLY COPY).

The authoritative reference and input builder live on the scoring server;
editing this copy changes nothing except your own understanding.
"""

import jax, jax.numpy as jnp
import numpy as np

N = 10000
E = 320000
D_IN = 128
D_EMB = 128
D_EDGE = 16
BN_EPS = 1e-5


def setup_inputs(seed: int = 0) -> dict:
    key = jax.random.key(seed)
    ks = jax.random.split(key, 9)
    x = jax.random.normal(ks[0], (N, D_IN), dtype=jnp.float32)
    edge_index = jax.random.randint(ks[1], (2, E), 0, N, dtype=jnp.int32)
    edge_attr = jax.random.normal(ks[2], (E, D_EDGE), dtype=jnp.float32)
    w1 = jax.random.normal(ks[3], (D_IN, D_EMB), dtype=jnp.float32) * (1.0 / np.sqrt(D_IN))
    b1 = jnp.zeros((D_EMB,), dtype=jnp.float32)
    gamma = jnp.ones((D_EMB,), dtype=jnp.float32)
    beta = jnp.zeros((D_EMB,), dtype=jnp.float32)
    w2 = jax.random.normal(ks[4], (D_EMB, D_EMB), dtype=jnp.float32) * (1.0 / np.sqrt(D_EMB))
    b2 = jnp.zeros((D_EMB,), dtype=jnp.float32)
    return {"x": x, "edge_index": edge_index, "edge_attr": edge_attr,
            "w1": w1, "b1": b1, "gamma": gamma, "beta": beta, "w2": w2, "b2": b2}


def reference(x, edge_index, edge_attr, w1, b1, gamma, beta, w2, b2):
    # GINConv (train_eps=False => eps = 0): out = mlp((1 + eps) * x + sum_{j in N(i)} x_j)
    # edge_attr is accepted but unused (matches the torch module).
    src = edge_index[0]
    dst = edge_index[1]
    msgs = jnp.take(x, src, axis=0)                      # gather source-node features per edge
    agg = jax.ops.segment_sum(msgs, dst, num_segments=N)  # scatter-add into destination nodes
    h = x + agg                                           # (1 + 0) * x + aggregated messages
    # MLP: Linear -> BatchNorm1d (training-mode batch stats) -> ReLU -> Linear
    h1 = h @ w1 + b1
    mean = jnp.mean(h1, axis=0)
    var = jnp.var(h1, axis=0)
    hn = gamma * (h1 - mean) / jnp.sqrt(var + BN_EPS) + beta
    hr = jnp.maximum(hn, 0.0)
    out = hr @ w2 + b2
    return out

if __name__ == "__main__":
    import jax
    _d = setup_inputs()
    print(jax.jit(kernel)(*tuple(_d.values())))

</pallas_src>

<mosaic_0001>
#map = affine_map<(d0, d1) -> (0, 0)>
#map1 = affine_map<(d0, d1) -> (0, 0, 0)>
module attributes {stable_mosaic.version = 14 : i64} {
  func.func @agg_kernel(%arg0: i32, %arg1: i32, %arg2: memref<10000x128xf32, #tpu.memory_space<hbm>>, %arg3: memref<2x320000xi32, #tpu.memory_space<hbm>>, %arg4: memref<2x10000x128xf32, #tpu.memory_space<hbm>>, %arg5: memref<10000x128xf32, #tpu.memory_space<vmem_shared>>, %arg6: memref<2x5120xi32, #tpu.memory_space<vmem>>, %arg7: memref<128xi32, #tpu.memory_space<vmem>>, %arg8: memref<2x128x128xf32, #tpu.memory_space<vmem>>, %arg9: memref<!tpu.dma_semaphore, #tpu.memory_space<semaphore_mem>>) attributes {dimension_semantics = [#tpu.dimension_semantics<core_parallel>, #tpu.dimension_semantics<subcore_parallel>], iteration_bounds = array<i64: 2, 16>, scalar_prefetch = 0 : i64, scratch_operands = 5 : i64, tpu.core_type = #tpu.core_type<sc_vector_subcore>, window_params = [{transform_indices = #map}, {transform_indices = #map}, {transform_indices = #map1}]} {
    %mul3A = arith.constant 16 : i32
    %mul3A_0 = arith.muli %arg0, %mul3A : i32
    %add3A = arith.addi %mul3A_0, %arg1 : i32
    %mul3A_1 = arith.constant 10240 : i32
    %mul3A_2 = arith.muli %add3A, %mul3A_1 : i32
    %multiple_of3A = tpu.assume_multiple %mul3A_2, 128 : i32
    %eq3A = arith.constant 31 : i32
    %eq3A_3 = arith.cmpi eq, %add3A, %eq3A : i32
    %jit3A = arith.constant 20 : i32
    %jit3A_4 = arith.constant 80 : i32
    %select_n3A = arith.select %eq3A_3, %jit3A, %jit3A_4 : i32
    %mul3A_5 = arith.constant 624 : i32
    %mul3A_6 = arith.muli %arg1, %mul3A_5 : i32
    "tpu.region"() ({
      %run_scoped3A = tpu.sem_alloc : memref<!tpu.dma_semaphore, #tpu.memory_space<semaphore_mem>>
      %dma_start3A_51 = arith.constant 0 : i32
      %dma_start3A_52 = tpu.memref_slice %arg5[%mul3A_6, %dma_start3A_51] : memref<10000x128xf32, #tpu.memory_space<vmem_shared>> -> memref<624x128xf32, #tpu.memory_space<vmem_shared>>
      %dma_start3A_53 = arith.constant 0 : i32
      %dma_start3A_54 = tpu.memref_slice %arg2[%mul3A_6, %dma_start3A_53] : memref<10000x128xf32, #tpu.memory_space<hbm>> -> memref<624x128xf32, #tpu.memory_space<hbm>>
      tpu.enqueue_dma source(%dma_start3A_54 : memref<624x128xf32, #tpu.memory_space<hbm>>) target(%dma_start3A_52 : memref<624x128xf32, #tpu.memory_space<vmem_shared>>) target_semaphore(%run_scoped3A : memref<!tpu.dma_semaphore, #tpu.memory_space<semaphore_mem>>)
      %dma_wait3A = arith.constant 0 : i32
      %dma_wait3A_55 = tpu.memref_slice %arg5[%mul3A_6, %dma_wait3A] : memref<10000x128xf32, #tpu.memory_space<vmem_shared>> -> memref<624x128xf32, #tpu.memory_space<vmem_shared>>
      %dma_wait3A_56 = arith.constant 0 : i32
      %dma_wait3A_57 = tpu.memref_slice %arg2[%mul3A_6, %dma_wait3A_56] : memref<10000x128xf32, #tpu.memory_space<hbm>> -> memref<624x128xf32, #tpu.memory_space<hbm>>
      tpu.wait_dma2 semaphore(%run_scoped3A : memref<!tpu.dma_semaphore, #tpu.memory_space<semaphore_mem>>) src(%dma_wait3A_57 : memref<624x128xf32, #tpu.memory_space<hbm>>) dst(%dma_wait3A_55 : memref<624x128xf32, #tpu.memory_space<vmem_shared>>)
      tpu.yield
    }) : () -> ()
    %eq3A_7 = arith.constant 0 : i32
    %eq3A_8 = arith.cmpi eq, %arg1, %eq3A_7 : i32
    %convert_element_type3A = arith.extui %eq3A_8 : i1 to i32
    %cond3A = arith.constant 0 : i32
    %cond3A_9 = arith.cmpi ne, %convert_element_type3A, %cond3A : i32
    scf.if %cond3A_9 {
      "tpu.region"() ({
        %run_scoped3A = tpu.sem_alloc : memref<!tpu.dma_semaphore, #tpu.memory_space<semaphore_mem>>
        %dma_start3A_51 = arith.constant 9984 : i32
        %dma_start3A_52 = arith.constant 0 : i32
        %dma_start3A_53 = tpu.memref_slice %arg5[%dma_start3A_51, %dma_start3A_52] : memref<10000x128xf32, #tpu.memory_space<vmem_shared>> -> memref<16x128xf32, #tpu.memory_space<vmem_shared>>
        %dma_start3A_54 = arith.constant 9984 : i32
        %dma_start3A_55 = arith.constant 0 : i32
        %dma_start3A_56 = tpu.memref_slice %arg2[%dma_start3A_54, %dma_start3A_55] : memref<10000x128xf32, #tpu.memory_space<hbm>> -> memref<16x128xf32, #tpu.memory_space<hbm>>
        tpu.enqueue_dma source(%dma_start3A_56 : memref<16x128xf32, #tpu.memory_space<hbm>>) target(%dma_start3A_53 : memref<16x128xf32, #tpu.memory_space<vmem_shared>>) target_semaphore(%run_scoped3A : memref<!tpu.dma_semaphore, #tpu.memory_space<semaphore_mem>>)
        %dma_wait3A = arith.constant 9984 : i32
        %dma_wait3A_57 = arith.constant 0 : i32
        %dma_wait3A_58 = tpu.memref_slice %arg5[%dma_wait3A, %dma_wait3A_57] : memref<10000x128xf32, #tpu.memory_space<vmem_shared>> -> memref<16x128xf32, #tpu.memory_space<vmem_shared>>
        %dma_wait3A_59 = arith.constant 9984 : i32
        %dma_wait3A_60 = arith.constant 0 : i32
        %dma_wait3A_61 = tpu.memref_slice %arg2[%dma_wait3A_59, %dma_wait3A_60] : memref<10000x128xf32, #tpu.memory_space<hbm>> -> memref<16x128xf32, #tpu.memory_space<hbm>>
        tpu.wait_dma2 semaphore(%run_scoped3A : memref<!tpu.dma_semaphore, #tpu.memory_space<semaphore_mem>>) src(%dma_wait3A_61 : memref<16x128xf32, #tpu.memory_space<hbm>>) dst(%dma_wait3A_58 : memref<16x128xf32, #tpu.memory_space<vmem_shared>>)
        tpu.yield
      }) : () -> ()
    } else {
    }
    %lt3A = arith.constant 31 : i32
    %lt3A_10 = arith.cmpi slt, %add3A, %lt3A : i32
    %convert_element_type3A_11 = arith.extui %lt3A_10 : i1 to i32
    %cond3A_12 = arith.constant 0 : i32
    %cond3A_13 = arith.cmpi ne, %convert_element_type3A_11, %cond3A_12 : i32
    scf.if %cond3A_13 {
      "tpu.region"() ({
        %run_scoped3A = tpu.sem_alloc : memref<!tpu.dma_semaphore, #tpu.memory_space<semaphore_mem>>
        %dma_start3A_51 = arith.constant 0 : i32
        %dma_start3A_52 = tpu.memref_slice %arg3[%dma_start3A_51, %multiple_of3A] : memref<2x320000xi32, #tpu.memory_space<hbm>> -> memref<2x5120xi32, #tpu.memory_space<hbm>>
        %dma_start3A_53 = arith.constant 0 : i32
        %dma_start3A_54 = tpu.memref_slice %arg3[%dma_start3A_53, %multiple_of3A] : memref<2x320000xi32, #tpu.memory_space<hbm>> -> memref<2x5120xi32, #tpu.memory_space<hbm>>
        tpu.enqueue_dma source(%dma_start3A_54 : memref<2x5120xi32, #tpu.memory_space<hbm>>) target(%arg6 : memref<2x5120xi32, #tpu.memory_space<vmem>>) target_semaphore(%run_scoped3A : memref<!tpu.dma_semaphore, #tpu.memory_space<semaphore_mem>>)
        %dma_wait3A = arith.constant 0 : i32
        %dma_wait3A_55 = tpu.memref_slice %arg3[%dma_wait3A, %multiple_of3A] : memref<2x320000xi32, #tpu.memory_space<hbm>> -> memref<2x5120xi32, #tpu.memory_space<hbm>>
        %dma_wait3A_56 = arith.constant 0 : i32
        %dma_wait3A_57 = tpu.memref_slice %arg3[%dma_wait3A_56, %multiple_of3A] : memref<2x320000xi32, #tpu.memory_space<hbm>> -> memref<2x5120xi32, #tpu.memory_space<hbm>>
        tpu.wait_dma2 semaphore(%run_scoped3A : memref<!tpu.dma_semaphore, #tpu.memory_space<semaphore_mem>>) src(%dma_wait3A_57 : memref<2x5120xi32, #tpu.memory_space<hbm>>) dst(%arg6 : memref<2x5120xi32, #tpu.memory_space<vmem>>)
        tpu.yield
      }) : () -> ()
    } else {
    }
    %eq3A_14 = arith.constant 31 : i32
    %eq3A_15 = arith.cmpi eq, %add3A, %eq3A_14 : i32
    %convert_element_type3A_16 = arith.extui %eq3A_15 : i1 to i32
    %cond3A_17 = arith.constant 0 : i32
    %cond3A_18 = arith.cmpi ne, %convert_element_type3A_16, %cond3A_17 : i32
    scf.if %cond3A_18 {
      "tpu.region"() ({
        %run_scoped3A = tpu.sem_alloc : memref<!tpu.dma_semaphore, #tpu.memory_space<semaphore_mem>>
        %dma_start3A_51 = arith.constant 0 : i32
        %dma_start3A_52 = arith.constant 0 : i32
        %dma_start3A_53 = tpu.memref_slice %arg6[%dma_start3A_51, %dma_start3A_52] : memref<2x5120xi32, #tpu.memory_space<vmem>> -> memref<2x2560xi32, #tpu.memory_space<vmem>>
        %dma_start3A_54 = arith.constant 0 : i32
        %dma_start3A_55 = tpu.memref_slice %arg3[%dma_start3A_54, %multiple_of3A] : memref<2x320000xi32, #tpu.memory_space<hbm>> -> memref<2x2560xi32, #tpu.memory_space<hbm>>
        %dma_start3A_56 = arith.constant 0 : i32
        %dma_start3A_57 = arith.constant 0 : i32
        %dma_start3A_58 = tpu.memref_slice %arg6[%dma_start3A_56, %dma_start3A_57] : memref<2x5120xi32, #tpu.memory_space<vmem>> -> memref<2x2560xi32, #tpu.memory_space<vmem>>
        %dma_start3A_59 = arith.constant 0 : i32
        %dma_start3A_60 = tpu.memref_slice %arg3[%dma_start3A_59, %multiple_of3A] : memref<2x320000xi32, #tpu.memory_space<hbm>> -> memref<2x2560xi32, #tpu.memory_space<hbm>>
        tpu.enqueue_dma source(%dma_start3A_60 : memref<2x2560xi32, #tpu.memory_space<hbm>>) target(%dma_start3A_58 : memref<2x2560xi32, #tpu.memory_space<vmem>>) target_semaphore(%run_scoped3A : memref<!tpu.dma_semaphore, #tpu.memory_space<semaphore_mem>>)
        %dma_wait3A = arith.constant 0 : i32
        %dma_wait3A_61 = arith.constant 0 : i32
        %dma_wait3A_62 = tpu.memref_slice %arg6[%dma_wait3A, %dma_wait3A_61] : memref<2x5120xi32, #tpu.memory_space<vmem>> -> memref<2x2560xi32, #tpu.memory_space<vmem>>
        %dma_wait3A_63 = arith.constant 0 : i32
        %dma_wait3A_64 = tpu.memref_slice %arg3[%dma_wait3A_63, %multiple_of3A] : memref<2x320000xi32, #tpu.memory_space<hbm>> -> memref<2x2560xi32, #tpu.memory_space<hbm>>
        %dma_wait3A_65 = arith.constant 0 : i32
        %dma_wait3A_66 = arith.constant 0 : i32
        %dma_wait3A_67 = tpu.memref_slice %arg6[%dma_wait3A_65, %dma_wait3A_66] : memref<2x5120xi32, #tpu.memory_space<vmem>> -> memref<2x2560xi32, #tpu.memory_space<vmem>>
        %dma_wait3A_68 = arith.constant 0 : i32
        %dma_wait3A_69 = tpu.memref_slice %arg3[%dma_wait3A_68, %multiple_of3A] : memref<2x320000xi32, #tpu.memory_space<hbm>> -> memref<2x2560xi32, #tpu.memory_space<hbm>>
        tpu.wait_dma2 semaphore(%run_scoped3A : memref<!tpu.dma_semaphore, #tpu.memory_space<semaphore_mem>>) src(%dma_wait3A_69 : memref<2x2560xi32, #tpu.memory_space<hbm>>) dst(%dma_wait3A_67 : memref<2x2560xi32, #tpu.memory_space<vmem>>)
        tpu.yield
      }) : () -> ()
    } else {
    }
    %barrier3A = arith.constant 0 : index
    tpu.barrier barrier_id(%barrier3A)
    %rem3A = arith.constant 0 : i32
    %rem3A_19 = arith.constant 40 : i32
    %rem3A_20 = arith.remsi %rem3A, %rem3A_19 : i32
    %mul3A_21 = arith.constant 128 : i32
    %mul3A_22 = arith.muli %rem3A_20, %mul3A_21 : i32
    %multiple_of3A_23 = tpu.assume_multiple %mul3A_22, 8 : i32
    %dma_start3A = arith.constant 0 : i32
    %dma_start3A_24 = arith.constant 0 : i32
    %dma_start3A_25 = arith.constant 0 : i32
    %dma_start3A_26 = arith.constant 0 : i32
    %dma_start3A_27 = tpu.memref_slice %arg8[%dma_start3A_24, %dma_start3A_25, %dma_start3A_26] : memref<2x128x128xf32, #tpu.memory_space<vmem>> -> memref<1x128x128xf32, #tpu.memory_space<vmem>>
    %dma_start3A_28 = tpu.memref_squeeze %dma_start3A_27 : memref<1x128x128xf32, #tpu.memory_space<vmem>> -> memref<128x128xf32, #tpu.memory_space<vmem>>
    %dma_start3A_29 = tpu.memref_slice %arg6[%dma_start3A, %multiple_of3A_23] : memref<2x5120xi32, #tpu.memory_space<vmem>> -> memref<1x128xi32, #tpu.memory_space<vmem>>
    %dma_start3A_30 = tpu.memref_squeeze %dma_start3A_29 : memref<1x128xi32, #tpu.memory_space<vmem>> -> memref<128xi32, #tpu.memory_space<vmem>>
    %dma_start3A_31 = arith.constant 0 : i32
    %dma_start3A_32 = arith.constant 0 : i32
    %dma_start3A_33 = tpu.memref_slice %arg2[%dma_start3A_31, %dma_start3A_32] : memref<10000x128xf32, #tpu.memory_space<hbm>> -> memref<10000x128xf32, #tpu.memory_space<hbm>>
    tpu.enqueue_indirect_dma source(%dma_start3A_33 : memref<10000x128xf32, #tpu.memory_space<hbm>>) target(%dma_start3A_28 : memref<128x128xf32, #tpu.memory_space<vmem>>) offsets(%dma_start3A_30 : memref<128xi32, #tpu.memory_space<vmem>>) semaphore(%arg9 : memref<!tpu.dma_semaphore, #tpu.memory_space<semaphore_mem>>)
    %while3A = arith.constant 0 : i32
    %while3A_34 = arith.constant 0 : i32
    %while3A_35 = arith.subi %select_n3A, %while3A : i32
    %while3A_36 = arith.addi %while3A, %while3A_35 : i32
    %while3A_37 = arith.constant 1 : i32
    %while3A_38 = arith.divsi %while3A_35, %while3A_37 : i32
    %while3A_39 = arith.muli %while3A_38, %while3A_37 : i32
    %while3A_40 = arith.addi %while3A, %while3A_39 : i32
    %while3A_41 = arith.constant 1 : i32
    %while3A_42 = scf.for %while3A_51 = %while3A to %while3A_40 step %while3A_41 iter_args(%while3A_52 = %while3A_34) -> (i32)  : i32 {
      %rem3A_53 = arith.constant 40 : i32
      %rem3A_54 = arith.remsi %while3A_51, %rem3A_53 : i32
      %mul3A_55 = arith.constant 128 : i32
      %mul3A_56 = arith.muli %rem3A_54, %mul3A_55 : i32
      %add3A_57 = arith.constant 0 : i32
      %add3A_58 = arith.addi %mul3A_56, %add3A_57 : i32
      %get3A = arith.constant 1 : i32
      %get3A_59 = arith.index_cast %get3A : i32 to index
      %get3A_60 = arith.index_cast %add3A_58 : i32 to index
      %get3A_61 = tpu.vector_load %arg6[%get3A_59, %get3A_60] {strides = array<i32>} : memref<2x5120xi32, #tpu.memory_space<vmem>>, vector<1x16xi32>,
      %get3A_62 = vector.shape_cast %get3A_61 : vector<1x16xi32> to vector<16xi32>
      %swap3A = arith.constant 0 : index
      %swap3A_63 = tpu.vector_load %arg7[%swap3A] {strides = array<i32>} : memref<128xi32, #tpu.memory_space<vmem>>, vector<16xi32>,
      %swap3A_64 = vector.shape_cast %swap3A_63 : vector<16xi32> to vector<16xi32>
      %swap3A_65 = vector.shape_cast %get3A_62 : vector<16xi32> to vector<16xi32>
      tpu.vector_store %arg7[%swap3A], %swap3A_65 {strides = array<i32>} : memref<128xi32, #tpu.memory_space<vmem>>, vector<16xi32>,
      %mul3A_66 = arith.constant 128 : i32
      %mul3A_67 = arith.muli %rem3A_54, %mul3A_66 : i32
      %add3A_68 = arith.constant 16 : i32
      %add3A_69 = arith.addi %mul3A_67, %add3A_68 : i32
      %get3A_70 = arith.constant 1 : i32
      %get3A_71 = arith.index_cast %get3A_70 : i32 to index
      %get3A_72 = arith.index_cast %add3A_69 : i32 to index
      %get3A_73 = tpu.vector_load %arg6[%get3A_71, %get3A_72] {strides = array<i32>} : memref<2x5120xi32, #tpu.memory_space<vmem>>, vector<1x16xi32>,
      %get3A_74 = vector.shape_cast %get3A_73 : vector<1x16xi32> to vector<16xi32>
      %swap3A_75 = arith.constant 16 : index
      %swap3A_76 = tpu.vector_load %arg7[%swap3A_75] {strides = array<i32>} : memref<128xi32, #tpu.memory_space<vmem>>, vector<16xi32>,
      %swap3A_77 = vector.shape_cast %swap3A_76 : vector<16xi32> to vector<16xi32>
      %swap3A_78 = vector.shape_cast %get3A_74 : vector<16xi32> to vector<16xi32>
      tpu.vector_store %arg7[%swap3A_75], %swap3A_78 {strides = array<i32>} : memref<128xi32, #tpu.memory_space<vmem>>, vector<16xi32>,
      %mul3A_79 = arith.constant 128 : i32
      %mul3A_80 = arith.muli %rem3A_54, %mul3A_79 : i32
      %add3A_81 = arith.constant 32 : i32
      %add3A_82 = arith.addi %mul3A_80, %add3A_81 : i32
      %get3A_83 = arith.constant 1 : i32
      %get3A_84 = arith.index_cast %get3A_83 : i32 to index
      %get3A_85 = arith.index_cast %add3A_82 : i32 to index
      %get3A_86 = tpu.vector_load %arg6[%get3A_84, %get3A_85] {strides = array<i32>} : memref<2x5120xi32, #tpu.memory_space<vmem>>, vector<1x16xi32>,
      %get3A_87 = vector.shape_cast %get3A_86 : vector<1x16xi32> to vector<16xi32>
      %swap3A_88 = arith.constant 32 : index
      %swap3A_89 = tpu.vector_load %arg7[%swap3A_88] {strides = array<i32>} : memref<128xi32, #tpu.memory_space<vmem>>, vector<16xi32>,
      %swap3A_90 = vector.shape_cast %swap3A_89 : vector<16xi32> to vector<16xi32>
      %swap3A_91 = vector.shape_cast %get3A_87 : vector<16xi32> to vector<16xi32>
      tpu.vector_store %arg7[%swap3A_88], %swap3A_91 {strides = array<i32>} : memref<128xi32, #tpu.memory_space<vmem>>, vector<16xi32>,
      %mul3A_92 = arith.constant 128 : i32
      %mul3A_93 = arith.muli %rem3A_54, %mul3A_92 : i32
      %add3A_94 = arith.constant 48 : i32
      %add3A_95 = arith.addi %mul3A_93, %add3A_94 : i32
      %get3A_96 = arith.constant 1 : i32
      %get3A_97 = arith.index_cast %get3A_96 : i32 to index
      %get3A_98 = arith.index_cast %add3A_95 : i32 to index
      %get3A_99 = tpu.vector_load %arg6[%get3A_97, %get3A_98] {strides = array<i32>} : memref<2x5120xi32, #tpu.memory_space<vmem>>, vector<1x16xi32>,
      %get3A_100 = vector.shape_cast %get3A_99 : vector<1x16xi32> to vector<16xi32>
      %swap3A_101 = arith.constant 48 : index
      %swap3A_102 = tpu.vector_load %arg7[%swap3A_101] {strides = array<i32>} : memref<128xi32, #tpu.memory_space<vmem>>, vector<16xi32>,
      %swap3A_103 = vector.shape_cast %swap3A_102 : vector<16xi32> to vector<16xi32>
      %swap3A_104 = vector.shape_cast %get3A_100 : vector<16xi32> to vector<16xi32>
      tpu.vector_store %arg7[%swap3A_101], %swap3A_104 {strides = array<i32>} : memref<128xi32, #tpu.memory_space<vmem>>, vector<16xi32>,
      %mul3A_105 = arith.constant 128 : i32
      %mul3A_106 = arith.muli %rem3A_54, %mul3A_105 : i32
      %add3A_107 = arith.constant 64 : i32
      %add3A_108 = arith.addi %mul3A_106, %add3A_107 : i32
      %get3A_109 = arith.constant 1 : i32
      %get3A_110 = arith.index_cast %get3A_109 : i32 to index
      %get3A_111 = arith.index_cast %add3A_108 : i32 to index
      %get3A_112 = tpu.vector_load %arg6[%get3A_110, %get3A_111] {strides = array<i32>} : memref<2x5120xi32, #tpu.memory_space<vmem>>, vector<1x16xi32>,
      %get3A_113 = vector.shape_cast %get3A_112 : vector<1x16xi32> to vector<16xi32>
      %swap3A_114 = arith.constant 64 : index
      %swap3A_115 = tpu.vector_load %arg7[%swap3A_114] {strides = array<i32>} : memref<128xi32, #tpu.memory_space<vmem>>, vector<16xi32>,
      %swap3A_116 = vector.shape_cast %swap3A_115 : vector<16xi32> to vector<16xi32>
      %swap3A_117 = vector.shape_cast %get3A_113 : vector<16xi32> to vector<16xi32>
      tpu.vector_store %arg7[%swap3A_114], %swap3A_117 {strides = array<i32>} : memref<128xi32, #tpu.memory_space<vmem>>, vector<16xi32>,
      %mul3A_118 = arith.constant 128 : i32
      %mul3A_119 = arith.muli %rem3A_54, %mul3A_118 : i32
      %add3A_120 = arith.constant 80 : i32
      %add3A_121 = arith.addi %mul3A_119, %add3A_120 : i32
      %get3A_122 = arith.constant 1 : i32
      %get3A_123 = arith.index_cast %get3A_122 : i32 to index
      %get3A_124 = arith.index_cast %add3A_121 : i32 to index
      %get3A_125 = tpu.vector_load %arg6[%get3A_123, %get3A_124] {strides = array<i32>} : memref<2x5120xi32, #tpu.memory_space<vmem>>, vector<1x16xi32>,
      %get3A_126 = vector.shape_cast %get3A_125 : vector<1x16xi32> to vector<16xi32>
      %swap3A_127 = arith.constant 80 : index
      %swap3A_128 = tpu.vector_load %arg7[%swap3A_127] {strides = array<i32>} : memref<128xi32, #tpu.memory_space<vmem>>, vector<16xi32>,
      %swap3A_129 = vector.shape_cast %swap3A_128 : vector<16xi32> to vector<16xi32>
      %swap3A_130 = vector.shape_cast %get3A_126 : vector<16xi32> to vector<16xi32>
      tpu.vector_store %arg7[%swap3A_127], %swap3A_130 {strides = array<i32>} : memref<128xi32, #tpu.memory_space<vmem>>, vector<16xi32>,
      %mul3A_131 = arith.constant 128 : i32
      %mul3A_132 = arith.muli %rem3A_54, %mul3A_131 : i32
      %add3A_133 = arith.constant 96 : i32
      %add3A_134 = arith.addi %mul3A_132, %add3A_133 : i32
      %get3A_135 = arith.constant 1 : i32
      %get3A_136 = arith.index_cast %get3A_135 : i32 to index
      %get3A_137 = arith.index_cast %add3A_134 : i32 to index
      %get3A_138 = tpu.vector_load %arg6[%get3A_136, %get3A_137] {strides = array<i32>} : memref<2x5120xi32, #tpu.memory_space<vmem>>, vector<1x16xi32>,
      %get3A_139 = vector.shape_cast %get3A_138 : vector<1x16xi32> to vector<16xi32>
      %swap3A_140 = arith.constant 96 : index
      %swap3A_141 = tpu.vector_load %arg7[%swap3A_140] {strides = array<i32>} : memref<128xi32, #tpu.memory_space<vmem>>, vector<16xi32>,
      %swap3A_142 = vector.shape_cast %swap3A_141 : vector<16xi32> to vector<16xi32>
      %swap3A_143 = vector.shape_cast %get3A_139 : vector<16xi32> to vector<16xi32>
      tpu.vector_store %arg7[%swap3A_140], %swap3A_143 {strides = array<i32>} : memref<128xi32, #tpu.memory_space<vmem>>, vector<16xi32>,
      %mul3A_144 = arith.constant 128 : i32
      %mul3A_145 = arith.muli %rem3A_54, %mul3A_144 : i32
      %add3A_146 = arith.constant 112 : i32
      %add3A_147 = arith.addi %mul3A_145, %add3A_146 : i32
      %get3A_148 = arith.constant 1 : i32
      %get3A_149 = arith.index_cast %get3A_148 : i32 to index
      %get3A_150 = arith.index_cast %add3A_147 : i32 to index
      %get3A_151 = tpu.vector_load %arg6[%get3A_149, %get3A_150] {strides = array<i32>} : memref<2x5120xi32, #tpu.memory_space<vmem>>, vector<1x16xi32>,
      %get3A_152 = vector.shape_cast %get3A_151 : vector<1x16xi32> to vector<16xi32>
      %swap3A_153 = arith.constant 112 : index
      %swap3A_154 = tpu.vector_load %arg7[%swap3A_153] {strides = array<i32>} : memref<128xi32, #tpu.memory_space<vmem>>, vector<16xi32>,
      %swap3A_155 = vector.shape_cast %swap3A_154 : vector<16xi32> to vector<16xi32>
      %swap3A_156 = vector.shape_cast %get3A_152 : vector<16xi32> to vector<16xi32>
      tpu.vector_store %arg7[%swap3A_153], %swap3A_156 {strides = array<i32>} : memref<128xi32, #tpu.memory_space<vmem>>, vector<16xi32>,
      %add3A_157 = arith.constant 1 : i32
      %add3A_158 = arith.addi %while3A_51, %add3A_157 : i32
      %eq3A_159 = arith.constant 40 : i32
      %eq3A_160 = arith.cmpi eq, %add3A_158, %eq3A_159 : i32
      %convert_element_type3A_161 = arith.extui %eq3A_160 : i1 to i32
      %cond3A_162 = arith.constant 0 : i32
      %cond3A_163 = arith.cmpi ne, %convert_element_type3A_161, %cond3A_162 : i32
      scf.if %cond3A_163 {
        %rem3A_171 = arith.constant 40 : i32
        %rem3A_172 = arith.remsi %while3A_51, %rem3A_171 : i32
        %mul3A_173 = arith.constant 128 : i32
        %mul3A_174 = arith.muli %rem3A_172, %mul3A_173 : i32
        %multiple_of3A_175 = tpu.assume_multiple %mul3A_174, 8 : i32
        %rem3A_176 = arith.constant 2 : i32
        %rem3A_177 = arith.remsi %while3A_51, %rem3A_176 : i32
        %dma_wait3A = arith.constant 0 : i32
        %dma_wait3A_178 = arith.constant 0 : i32
        %dma_wait3A_179 = arith.constant 0 : i32
        %dma_wait3A_180 = tpu.memref_slice %arg8[%rem3A_177, %dma_wait3A_178, %dma_wait3A_179] : memref<2x128x128xf32, #tpu.memory_space<vmem>> -> memref<1x128x128xf32, #tpu.memory_space<vmem>>
        %dma_wait3A_181 = tpu.memref_squeeze %dma_wait3A_180 : memref<1x128x128xf32, #tpu.memory_space<vmem>> -> memref<128x128xf32, #tpu.memory_space<vmem>>
        %dma_wait3A_182 = tpu.memref_slice %arg6[%dma_wait3A, %multiple_of3A_175] : memref<2x5120xi32, #tpu.memory_space<vmem>> -> memref<1x128xi32, #tpu.memory_space<vmem>>
        %dma_wait3A_183 = tpu.memref_squeeze %dma_wait3A_182 : memref<1x128xi32, #tpu.memory_space<vmem>> -> memref<128xi32, #tpu.memory_space<vmem>>
        %dma_wait3A_184 = arith.constant 0 : i32
        %dma_wait3A_185 = arith.constant 0 : i32
        %dma_wait3A_186 = tpu.memref_slice %arg2[%dma_wait3A_184, %dma_wait3A_185] : memref<10000x128xf32, #tpu.memory_space<hbm>> -> memref<10000x128xf32, #tpu.memory_space<hbm>>
        tpu.wait_indirect_dma semaphore(%arg9 : memref<!tpu.dma_semaphore, #tpu.memory_space<semaphore_mem>>) src(%dma_wait3A_186 : memref<10000x128xf32, #tpu.memory_space<hbm>>) dst(%dma_wait3A_181 : memref<128x128xf32, #tpu.memory_space<vmem>>)
        %add3A_187 = arith.constant 5120 : i32
        %add3A_188 = arith.addi %multiple_of3A, %add3A_187 : i32
        "tpu.region"() ({
          %run_scoped3A = tpu.sem_alloc : memref<!tpu.dma_semaphore, #tpu.memory_space<semaphore_mem>>
          %dma_start3A_212 = arith.constant 0 : i32
          %dma_start3A_213 = tpu.memref_slice %arg3[%dma_start3A_212, %add3A_188] : memref<2x320000xi32, #tpu.memory_space<hbm>> -> memref<2x5120xi32, #tpu.memory_space<hbm>>
          %dma_start3A_214 = arith.constant 0 : i32
          %dma_start3A_215 = tpu.memref_slice %arg3[%dma_start3A_214, %add3A_188] : memref<2x320000xi32, #tpu.memory_space<hbm>> -> memref<2x5120xi32, #tpu.memory_space<hbm>>
          tpu.enqueue_dma source(%dma_start3A_215 : memref<2x5120xi32, #tpu.memory_space<hbm>>) target(%arg6 : memref<2x5120xi32, #tpu.memory_space<vmem>>) target_semaphore(%run_scoped3A : memref<!tpu.dma_semaphore, #tpu.memory_space<semaphore_mem>>)
          %dma_wait3A_216 = arith.constant 0 : i32
          %dma_wait3A_217 = tpu.memref_slice %arg3[%dma_wait3A_216, %add3A_188] : memref<2x320000xi32, #tpu.memory_space<hbm>> -> memref<2x5120xi32, #tpu.memory_space<hbm>>
          %dma_wait3A_218 = arith.constant 0 : i32
          %dma_wait3A_219 = tpu.memref_slice %arg3[%dma_wait3A_218, %add3A_188] : memref<2x320000xi32, #tpu.memory_space<hbm>> -> memref<2x5120xi32, #tpu.memory_space<hbm>>
          tpu.wait_dma2 semaphore(%run_scoped3A : memref<!tpu.dma_semaphore, #tpu.memory_space<semaphore_mem>>) src(%dma_wait3A_219 : memref<2x5120xi32, #tpu.memory_space<hbm>>) dst(%arg6 : memref<2x5120xi32, #tpu.memory_space<vmem>>)
          tpu.yield
        }) : () -> ()
        %add3A_189 = arith.constant 1 : i32
        %add3A_190 = arith.addi %while3A_51, %add3A_189 : i32
        %rem3A_191 = arith.constant 40 : i32
        %rem3A_192 = arith.remsi %add3A_190, %rem3A_191 : i32
        %mul3A_193 = arith.constant 128 : i32
        %mul3A_194 = arith.muli %rem3A_192, %mul3A_193 : i32
        %multiple_of3A_195 = tpu.assume_multiple %mul3A_194, 8 : i32
        %add3A_196 = arith.constant 1 : i32
        %add3A_197 = arith.addi %while3A_51, %add3A_196 : i32
        %rem3A_198 = arith.constant 2 : i32
        %rem3A_199 = arith.remsi %add3A_197, %rem3A_198 : i32
        %dma_start3A_200 = arith.constant 0 : i32
        %dma_start3A_201 = arith.constant 0 : i32
        %dma_start3A_202 = arith.constant 0 : i32
        %dma_start3A_203 = tpu.memref_slice %arg8[%rem3A_199, %dma_start3A_201, %dma_start3A_202] : memref<2x128x128xf32, #tpu.memory_space<vmem>> -> memref<1x128x128xf32, #tpu.memory_space<vmem>>
        %dma_start3A_204 = tpu.memref_squeeze %dma_start3A_203 : memref<1x128x128xf32, #tpu.memory_space<vmem>> -> memref<128x128xf32, #tpu.memory_space<vmem>>
        %dma_start3A_205 = tpu.memref_slice %arg6[%dma_start3A_200, %multiple_of3A_195] : memref<2x5120xi32, #tpu.memory_space<vmem>> -> memref<1x128xi32, #tpu.memory_space<vmem>>
        %dma_start3A_206 = tpu.memref_squeeze %dma_start3A_205 : memref<1x128xi32, #tpu.memory_space<vmem>> -> memref<128xi32, #tpu.memory_space<vmem>>
        %dma_start3A_207 = arith.constant 0 : i32
        %dma_start3A_208 = arith.constant 0 : i32
        %dma_start3A_209 = tpu.memref_slice %arg2[%dma_start3A_207, %dma_start3A_208] : memref<10000x128xf32, #tpu.memory_space<hbm>> -> memref<10000x128xf32, #tpu.memory_space<hbm>>
        tpu.enqueue_indirect_dma source(%dma_start3A_209 : memref<10000x128xf32, #tpu.memory_space<hbm>>) target(%dma_start3A_204 : memref<128x128xf32, #tpu.memory_space<vmem>>) offsets(%dma_start3A_206 : memref<128xi32, #tpu.memory_space<vmem>>) semaphore(%arg9 : memref<!tpu.dma_semaphore, #tpu.memory_space<semaphore_mem>>)
        %rem3A_210 = arith.constant 2 : i32
        %rem3A_211 = arith.remsi %while3A_51, %rem3A_210 : i32
        "tpu.region"() ({
          %run_scoped3A = tpu.sem_alloc : memref<!tpu.dma_semaphore, #tpu.memory_space<semaphore_mem>>
          %dma_start3A_212 = arith.constant 0 : i32
          %dma_start3A_213 = arith.constant 0 : i32
          %dma_start3A_214 = tpu.memref_slice %arg8[%rem3A_211, %dma_start3A_212, %dma_start3A_213] : memref<2x128x128xf32, #tpu.memory_space<vmem>> -> memref<1x128x128xf32, #tpu.memory_space<vmem>>
          %dma_start3A_215 = tpu.memref_squeeze %dma_start3A_214 : memref<1x128x128xf32, #tpu.memory_space<vmem>> -> memref<128x128xf32, #tpu.memory_space<vmem>>
          %dma_start3A_216 = arith.constant 0 : i32
          %dma_start3A_217 = arith.constant 0 : i32
          %dma_start3A_218 = tpu.memref_slice %arg5[%dma_start3A_216, %dma_start3A_217] : memref<10000x128xf32, #tpu.memory_space<vmem_shared>> -> memref<10000x128xf32, #tpu.memory_space<vmem_shared>>
          tpu.enqueue_indirect_dma source(%dma_start3A_215 : memref<128x128xf32, #tpu.memory_space<vmem>>) target(%dma_start3A_218 : memref<10000x128xf32, #tpu.memory_space<vmem_shared>>) offsets(%arg7 : memref<128xi32, #tpu.memory_space<vmem>>) semaphore(%run_scoped3A : memref<!tpu.dma_semaphore, #tpu.memory_space<semaphore_mem>>) {add = true}
          %dma_wait3A_219 = arith.constant 0 : i32
          %dma_wait3A_220 = arith.constant 0 : i32
          %dma_wait3A_221 = tpu.memref_slice %arg8[%rem3A_211, %dma_wait3A_219, %dma_wait3A_220] : memref<2x128x128xf32, #tpu.memory_space<vmem>> -> memref<1x128x128xf32, #tpu.memory_space<vmem>>
          %dma_wait3A_222 = tpu.memref_squeeze %dma_wait3A_221 : memref<1x128x128xf32, #tpu.memory_space<vmem>> -> memref<128x128xf32, #tpu.memory_space<vmem>>
          %dma_wait3A_223 = arith.constant 0 : i32
          %dma_wait3A_224 = arith.constant 0 : i32
          %dma_wait3A_225 = tpu.memref_slice %arg5[%dma_wait3A_223, %dma_wait3A_224] : memref<10000x128xf32, #tpu.memory_space<vmem_shared>> -> memref<10000x128xf32, #tpu.memory_space<vmem_shared>>
          tpu.wait_indirect_dma semaphore(%run_scoped3A : memref<!tpu.dma_semaphore, #tpu.memory_space<semaphore_mem>>) src(%dma_wait3A_222 : memref<128x128xf32, #tpu.memory_space<vmem>>) dst(%dma_wait3A_225 : memref<10000x128xf32, #tpu.memory_space<vmem_shared>>)
          tpu.yield
        }) : () -> ()
      } else {
      }
      %add3A_164 = arith.constant 1 : i32
      %add3A_165 = arith.addi %while3A_51, %add3A_164 : i32
      %ne3A = arith.constant 40 : i32
      %ne3A_166 = arith.cmpi ne, %add3A_165, %ne3A : i32
      %convert_element_type3A_167 = arith.extui %ne3A_166 : i1 to i32
      %cond3A_168 = arith.constant 0 : i32
      %cond3A_169 = arith.cmpi ne, %convert_element_type3A_167, %cond3A_168 : i32
      scf.if %cond3A_169 {
        %add3A_171 = arith.constant 1 : i32
        %add3A_172 = arith.addi %while3A_51, %add3A_171 : i32
        %lt3A_173 = arith.cmpi slt, %add3A_172, %select_n3A : i32
        %convert_element_type3A_174 = arith.extui %lt3A_173 : i1 to i32
        %cond3A_175 = arith.constant 0 : i32
        %cond3A_176 = arith.cmpi ne, %convert_element_type3A_174, %cond3A_175 : i32
        scf.if %cond3A_176 {
          %add3A_195 = arith.constant 1 : i32
          %add3A_196 = arith.addi %while3A_51, %add3A_195 : i32
          %rem3A_197 = arith.constant 40 : i32
          %rem3A_198 = arith.remsi %add3A_196, %rem3A_197 : i32
          %mul3A_199 = arith.constant 128 : i32
          %mul3A_200 = arith.muli %rem3A_198, %mul3A_199 : i32
          %multiple_of3A_201 = tpu.assume_multiple %mul3A_200, 8 : i32
          %add3A_202 = arith.constant 1 : i32
          %add3A_203 = arith.addi %while3A_51, %add3A_202 : i32
          %rem3A_204 = arith.constant 2 : i32
          %rem3A_205 = arith.remsi %add3A_203, %rem3A_204 : i32
          %dma_start3A_206 = arith.constant 0 : i32
          %dma_start3A_207 = arith.constant 0 : i32
          %dma_start3A_208 = arith.constant 0 : i32
          %dma_start3A_209 = tpu.memref_slice %arg8[%rem3A_205, %dma_start3A_207, %dma_start3A_208] : memref<2x128x128xf32, #tpu.memory_space<vmem>> -> memref<1x128x128xf32, #tpu.memory_space<vmem>>
          %dma_start3A_210 = tpu.memref_squeeze %dma_start3A_209 : memref<1x128x128xf32, #tpu.memory_space<vmem>> -> memref<128x128xf32, #tpu.memory_space<vmem>>
          %dma_start3A_211 = tpu.memref_slice %arg6[%dma_start3A_206, %multiple_of3A_201] : memref<2x5120xi32, #tpu.memory_space<vmem>> -> memref<1x128xi32, #tpu.memory_space<vmem>>
          %dma_start3A_212 = tpu.memref_squeeze %dma_start3A_211 : memref<1x128xi32, #tpu.memory_space<vmem>> -> memref<128xi32, #tpu.memory_space<vmem>>
          %dma_start3A_213 = arith.constant 0 : i32
          %dma_start3A_214 = arith.constant 0 : i32
          %dma_start3A_215 = tpu.memref_slice %arg2[%dma_start3A_213, %dma_start3A_214] : memref<10000x128xf32, #tpu.memory_space<hbm>> -> memref<10000x128xf32, #tpu.memory_space<hbm>>
          tpu.enqueue_indirect_dma source(%dma_start3A_215 : memref<10000x128xf32, #tpu.memory_space<hbm>>) target(%dma_start3A_210 : memref<128x128xf32, #tpu.memory_space<vmem>>) offsets(%dma_start3A_212 : memref<128xi32, #tpu.memory_space<vmem>>) semaphore(%arg9 : memref<!tpu.dma_semaphore, #tpu.memory_space<semaphore_mem>>)
        } else {
        }
        %rem3A_177 = arith.constant 40 : i32
        %rem3A_178 = arith.remsi %while3A_51, %rem3A_177 : i32
        %mul3A_179 = arith.constant 128 : i32
        %mul3A_180 = arith.muli %rem3A_178, %mul3A_179 : i32
        %multiple_of3A_181 = tpu.assume_multiple %mul3A_180, 8 : i32
        %rem3A_182 = arith.constant 2 : i32
        %rem3A_183 = arith.remsi %while3A_51, %rem3A_182 : i32
        %dma_wait3A = arith.constant 0 : i32
        %dma_wait3A_184 = arith.constant 0 : i32
        %dma_wait3A_185 = arith.constant 0 : i32
        %dma_wait3A_186 = tpu.memref_slice %arg8[%rem3A_183, %dma_wait3A_184, %dma_wait3A_185] : memref<2x128x128xf32, #tpu.memory_space<vmem>> -> memref<1x128x128xf32, #tpu.memory_space<vmem>>
        %dma_wait3A_187 = tpu.memref_squeeze %dma_wait3A_186 : memref<1x128x128xf32, #tpu.memory_space<vmem>> -> memref<128x128xf32, #tpu.memory_space<vmem>>
        %dma_wait3A_188 = tpu.memref_slice %arg6[%dma_wait3A, %multiple_of3A_181] : memref<2x5120xi32, #tpu.memory_space<vmem>> -> memref<1x128xi32, #tpu.memory_space<vmem>>
        %dma_wait3A_189 = tpu.memref_squeeze %dma_wait3A_188 : memref<1x128xi32, #tpu.memory_space<vmem>> -> memref<128xi32, #tpu.memory_space<vmem>>
        %dma_wait3A_190 = arith.constant 0 : i32
        %dma_wait3A_191 = arith.constant 0 : i32
        %dma_wait3A_192 = tpu.memref_slice %arg2[%dma_wait3A_190, %dma_wait3A_191] : memref<10000x128xf32, #tpu.memory_space<hbm>> -> memref<10000x128xf32, #tpu.memory_space<hbm>>
        tpu.wait_indirect_dma semaphore(%arg9 : memref<!tpu.dma_semaphore, #tpu.memory_space<semaphore_mem>>) src(%dma_wait3A_192 : memref<10000x128xf32, #tpu.memory_space<hbm>>) dst(%dma_wait3A_187 : memref<128x128xf32, #tpu.memory_space<vmem>>)
        %rem3A_193 = arith.constant 2 : i32
        %rem3A_194 = arith.remsi %while3A_51, %rem3A_193 : i32
        "tpu.region"() ({
          %run_scoped3A = tpu.sem_alloc : memref<!tpu.dma_semaphore, #tpu.memory_space<semaphore_mem>>
          %dma_start3A_195 = arith.constant 0 : i32
          %dma_start3A_196 = arith.constant 0 : i32
          %dma_start3A_197 = tpu.memref_slice %arg8[%rem3A_194, %dma_start3A_195, %dma_start3A_196] : memref<2x128x128xf32, #tpu.memory_space<vmem>> -> memref<1x128x128xf32, #tpu.memory_space<vmem>>
          %dma_start3A_198 = tpu.memref_squeeze %dma_start3A_197 : memref<1x128x128xf32, #tpu.memory_space<vmem>> -> memref<128x128xf32, #tpu.memory_space<vmem>>
          %dma_start3A_199 = arith.constant 0 : i32
          %dma_start3A_200 = arith.constant 0 : i32
          %dma_start3A_201 = tpu.memref_slice %arg5[%dma_start3A_199, %dma_start3A_200] : memref<10000x128xf32, #tpu.memory_space<vmem_shared>> -> memref<10000x128xf32, #tpu.memory_space<vmem_shared>>
          tpu.enqueue_indirect_dma source(%dma_start3A_198 : memref<128x128xf32, #tpu.memory_space<vmem>>) target(%dma_start3A_201 : memref<10000x128xf32, #tpu.memory_space<vmem_shared>>) offsets(%arg7 : memref<128xi32, #tpu.memory_space<vmem>>) semaphore(%run_scoped3A : memref<!tpu.dma_semaphore, #tpu.memory_space<semaphore_mem>>) {add = true}
          %dma_wait3A_202 = arith.constant 0 : i32
          %dma_wait3A_203 = arith.constant 0 : i32
          %dma_wait3A_204 = tpu.memref_slice %arg8[%rem3A_194, %dma_wait3A_202, %dma_wait3A_203] : memref<2x128x128xf32, #tpu.memory_space<vmem>> -> memref<1x128x128xf32, #tpu.memory_space<vmem>>
          %dma_wait3A_205 = tpu.memref_squeeze %dma_wait3A_204 : memref<1x128x128xf32, #tpu.memory_space<vmem>> -> memref<128x128xf32, #tpu.memory_space<vmem>>
          %dma_wait3A_206 = arith.constant 0 : i32
          %dma_wait3A_207 = arith.constant 0 : i32
          %dma_wait3A_208 = tpu.memref_slice %arg5[%dma_wait3A_206, %dma_wait3A_207] : memref<10000x128xf32, #tpu.memory_space<vmem_shared>> -> memref<10000x128xf32, #tpu.memory_space<vmem_shared>>
          tpu.wait_indirect_dma semaphore(%run_scoped3A : memref<!tpu.dma_semaphore, #tpu.memory_space<semaphore_mem>>) src(%dma_wait3A_205 : memref<128x128xf32, #tpu.memory_space<vmem>>) dst(%dma_wait3A_208 : memref<10000x128xf32, #tpu.memory_space<vmem_shared>>)
          tpu.yield
        }) : () -> ()
      } else {
      }
      %while3A_170 = arith.constant 0 : i32
      scf.yield %while3A_170 : i32
    }
    %while3A_43 = arith.constant 1 : i32
    %while3A_44 = scf.for %while3A_51 = %while3A_40 to %while3A_36 step %while3A_43 iter_args(%while3A_52 = %while3A_42) -> (i32)  : i32 {
      %rem3A_53 = arith.constant 40 : i32
      %rem3A_54 = arith.remsi %while3A_51, %rem3A_53 : i32
      %mul3A_55 = arith.constant 128 : i32
      %mul3A_56 = arith.muli %rem3A_54, %mul3A_55 : i32
      %add3A_57 = arith.constant 0 : i32
      %add3A_58 = arith.addi %mul3A_56, %add3A_57 : i32
      %get3A = arith.constant 1 : i32
      %get3A_59 = arith.index_cast %get3A : i32 to index
      %get3A_60 = arith.index_cast %add3A_58 : i32 to index
      %get3A_61 = tpu.vector_load %arg6[%get3A_59, %get3A_60] {strides = array<i32>} : memref<2x5120xi32, #tpu.memory_space<vmem>>, vector<1x16xi32>,
      %get3A_62 = vector.shape_cast %get3A_61 : vector<1x16xi32> to vector<16xi32>
      %swap3A = arith.constant 0 : index
      %swap3A_63 = tpu.vector_load %arg7[%swap3A] {strides = array<i32>} : memref<128xi32, #tpu.memory_space<vmem>>, vector<16xi32>,
      %swap3A_64 = vector.shape_cast %swap3A_63 : vector<16xi32> to vector<16xi32>
      %swap3A_65 = vector.shape_cast %get3A_62 : vector<16xi32> to vector<16xi32>
      tpu.vector_store %arg7[%swap3A], %swap3A_65 {strides = array<i32>} : memref<128xi32, #tpu.memory_space<vmem>>, vector<16xi32>,
      %mul3A_66 = arith.constant 128 : i32
      %mul3A_67 = arith.muli %rem3A_54, %mul3A_66 : i32
      %add3A_68 = arith.constant 16 : i32
      %add3A_69 = arith.addi %mul3A_67, %add3A_68 : i32
      %get3A_70 = arith.constant 1 : i32
      %get3A_71 = arith.index_cast %get3A_70 : i32 to index
      %get3A_72 = arith.index_cast %add3A_69 : i32 to index
      %get3A_73 = tpu.vector_load %arg6[%get3A_71, %get3A_72] {strides = array<i32>} : memref<2x5120xi32, #tpu.memory_space<vmem>>, vector<1x16xi32>,
      %get3A_74 = vector.shape_cast %get3A_73 : vector<1x16xi32> to vector<16xi32>
      %swap3A_75 = arith.constant 16 : index
      %swap3A_76 = tpu.vector_load %arg7[%swap3A_75] {strides = array<i32>} : memref<128xi32, #tpu.memory_space<vmem>>, vector<16xi32>,
      %swap3A_77 = vector.shape_cast %swap3A_76 : vector<16xi32> to vector<16xi32>
      %swap3A_78 = vector.shape_cast %get3A_74 : vector<16xi32> to vector<16xi32>
      tpu.vector_store %arg7[%swap3A_75], %swap3A_78 {strides = array<i32>} : memref<128xi32, #tpu.memory_space<vmem>>, vector<16xi32>,
      %mul3A_79 = arith.constant 128 : i32
      %mul3A_80 = arith.muli %rem3A_54, %mul3A_79 : i32
      %add3A_81 = arith.constant 32 : i32
      %add3A_82 = arith.addi %mul3A_80, %add3A_81 : i32
      %get3A_83 = arith.constant 1 : i32
      %get3A_84 = arith.index_cast %get3A_83 : i32 to index
      %get3A_85 = arith.index_cast %add3A_82 : i32 to index
      %get3A_86 = tpu.vector_load %arg6[%get3A_84, %get3A_85] {strides = array<i32>} : memref<2x5120xi32, #tpu.memory_space<vmem>>, vector<1x16xi32>,
      %get3A_87 = vector.shape_cast %get3A_86 : vector<1x16xi32> to vector<16xi32>
      %swap3A_88 = arith.constant 32 : index
      %swap3A_89 = tpu.vector_load %arg7[%swap3A_88] {strides = array<i32>} : memref<128xi32, #tpu.memory_space<vmem>>, vector<16xi32>,
      %swap3A_90 = vector.shape_cast %swap3A_89 : vector<16xi32> to vector<16xi32>
      %swap3A_91 = vector.shape_cast %get3A_87 : vector<16xi32> to vector<16xi32>
      tpu.vector_store %arg7[%swap3A_88], %swap3A_91 {strides = array<i32>} : memref<128xi32, #tpu.memory_space<vmem>>, vector<16xi32>,
      %mul3A_92 = arith.constant 128 : i32
      %mul3A_93 = arith.muli %rem3A_54, %mul3A_92 : i32
      %add3A_94 = arith.constant 48 : i32
      %add3A_95 = arith.addi %mul3A_93, %add3A_94 : i32
      %get3A_96 = arith.constant 1 : i32
      %get3A_97 = arith.index_cast %get3A_96 : i32 to index
      %get3A_98 = arith.index_cast %add3A_95 : i32 to index
      %get3A_99 = tpu.vector_load %arg6[%get3A_97, %get3A_98] {strides = array<i32>} : memref<2x5120xi32, #tpu.memory_space<vmem>>, vector<1x16xi32>,
      %get3A_100 = vector.shape_cast %get3A_99 : vector<1x16xi32> to vector<16xi32>
      %swap3A_101 = arith.constant 48 : index
      %swap3A_102 = tpu.vector_load %arg7[%swap3A_101] {strides = array<i32>} : memref<128xi32, #tpu.memory_space<vmem>>, vector<16xi32>,
      %swap3A_103 = vector.shape_cast %swap3A_102 : vector<16xi32> to vector<16xi32>
      %swap3A_104 = vector.shape_cast %get3A_100 : vector<16xi32> to vector<16xi32>
      tpu.vector_store %arg7[%swap3A_101], %swap3A_104 {strides = array<i32>} : memref<128xi32, #tpu.memory_space<vmem>>, vector<16xi32>,
      %mul3A_105 = arith.constant 128 : i32
      %mul3A_106 = arith.muli %rem3A_54, %mul3A_105 : i32
      %add3A_107 = arith.constant 64 : i32
      %add3A_108 = arith.addi %mul3A_106, %add3A_107 : i32
      %get3A_109 = arith.constant 1 : i32
      %get3A_110 = arith.index_cast %get3A_109 : i32 to index
      %get3A_111 = arith.index_cast %add3A_108 : i32 to index
      %get3A_112 = tpu.vector_load %arg6[%get3A_110, %get3A_111] {strides = array<i32>} : memref<2x5120xi32, #tpu.memory_space<vmem>>, vector<1x16xi32>,
      %get3A_113 = vector.shape_cast %get3A_112 : vector<1x16xi32> to vector<16xi32>
      %swap3A_114 = arith.constant 64 : index
      %swap3A_115 = tpu.vector_load %arg7[%swap3A_114] {strides = array<i32>} : memref<128xi32, #tpu.memory_space<vmem>>, vector<16xi32>,
      %swap3A_116 = vector.shape_cast %swap3A_115 : vector<16xi32> to vector<16xi32>
      %swap3A_117 = vector.shape_cast %get3A_113 : vector<16xi32> to vector<16xi32>
      tpu.vector_store %arg7[%swap3A_114], %swap3A_117 {strides = array<i32>} : memref<128xi32, #tpu.memory_space<vmem>>, vector<16xi32>,
      %mul3A_118 = arith.constant 128 : i32
      %mul3A_119 = arith.muli %rem3A_54, %mul3A_118 : i32
      %add3A_120 = arith.constant 80 : i32
      %add3A_121 = arith.addi %mul3A_119, %add3A_120 : i32
      %get3A_122 = arith.constant 1 : i32
      %get3A_123 = arith.index_cast %get3A_122 : i32 to index
      %get3A_124 = arith.index_cast %add3A_121 : i32 to index
      %get3A_125 = tpu.vector_load %arg6[%get3A_123, %get3A_124] {strides = array<i32>} : memref<2x5120xi32, #tpu.memory_space<vmem>>, vector<1x16xi32>,
      %get3A_126 = vector.shape_cast %get3A_125 : vector<1x16xi32> to vector<16xi32>
      %swap3A_127 = arith.constant 80 : index
      %swap3A_128 = tpu.vector_load %arg7[%swap3A_127] {strides = array<i32>} : memref<128xi32, #tpu.memory_space<vmem>>, vector<16xi32>,
      %swap3A_129 = vector.shape_cast %swap3A_128 : vector<16xi32> to vector<16xi32>
      %swap3A_130 = vector.shape_cast %get3A_126 : vector<16xi32> to vector<16xi32>
      tpu.vector_store %arg7[%swap3A_127], %swap3A_130 {strides = array<i32>} : memref<128xi32, #tpu.memory_space<vmem>>, vector<16xi32>,
      %mul3A_131 = arith.constant 128 : i32
      %mul3A_132 = arith.muli %rem3A_54, %mul3A_131 : i32
      %add3A_133 = arith.constant 96 : i32
      %add3A_134 = arith.addi %mul3A_132, %add3A_133 : i32
      %get3A_135 = arith.constant 1 : i32
      %get3A_136 = arith.index_cast %get3A_135 : i32 to index
      %get3A_137 = arith.index_cast %add3A_134 : i32 to index
      %get3A_138 = tpu.vector_load %arg6[%get3A_136, %get3A_137] {strides = array<i32>} : memref<2x5120xi32, #tpu.memory_space<vmem>>, vector<1x16xi32>,
      %get3A_139 = vector.shape_cast %get3A_138 : vector<1x16xi32> to vector<16xi32>
      %swap3A_140 = arith.constant 96 : index
      %swap3A_141 = tpu.vector_load %arg7[%swap3A_140] {strides = array<i32>} : memref<128xi32, #tpu.memory_space<vmem>>, vector<16xi32>,
      %swap3A_142 = vector.shape_cast %swap3A_141 : vector<16xi32> to vector<16xi32>
      %swap3A_143 = vector.shape_cast %get3A_139 : vector<16xi32> to vector<16xi32>
      tpu.vector_store %arg7[%swap3A_140], %swap3A_143 {strides = array<i32>} : memref<128xi32, #tpu.memory_space<vmem>>, vector<16xi32>,
      %mul3A_144 = arith.constant 128 : i32
      %mul3A_145 = arith.muli %rem3A_54, %mul3A_144 : i32
      %add3A_146 = arith.constant 112 : i32
      %add3A_147 = arith.addi %mul3A_145, %add3A_146 : i32
      %get3A_148 = arith.constant 1 : i32
      %get3A_149 = arith.index_cast %get3A_148 : i32 to index
      %get3A_150 = arith.index_cast %add3A_147 : i32 to index
      %get3A_151 = tpu.vector_load %arg6[%get3A_149, %get3A_150] {strides = array<i32>} : memref<2x5120xi32, #tpu.memory_space<vmem>>, vector<1x16xi32>,
      %get3A_152 = vector.shape_cast %get3A_151 : vector<1x16xi32> to vector<16xi32>
      %swap3A_153 = arith.constant 112 : index
      %swap3A_154 = tpu.vector_load %arg7[%swap3A_153] {strides = array<i32>} : memref<128xi32, #tpu.memory_space<vmem>>, vector<16xi32>,
      %swap3A_155 = vector.shape_cast %swap3A_154 : vector<16xi32> to vector<16xi32>
      %swap3A_156 = vector.shape_cast %get3A_152 : vector<16xi32> to vector<16xi32>
      tpu.vector_store %arg7[%swap3A_153], %swap3A_156 {strides = array<i32>} : memref<128xi32, #tpu.memory_space<vmem>>, vector<16xi32>,
      %add3A_157 = arith.constant 1 : i32
      %add3A_158 = arith.addi %while3A_51, %add3A_157 : i32
      %eq3A_159 = arith.constant 40 : i32
      %eq3A_160 = arith.cmpi eq, %add3A_158, %eq3A_159 : i32
      %convert_element_type3A_161 = arith.extui %eq3A_160 : i1 to i32
      %cond3A_162 = arith.constant 0 : i32
      %cond3A_163 = arith.cmpi ne, %convert_element_type3A_161, %cond3A_162 : i32
      scf.if %cond3A_163 {
        %rem3A_171 = arith.constant 40 : i32
        %rem3A_172 = arith.remsi %while3A_51, %rem3A_171 : i32
        %mul3A_173 = arith.constant 128 : i32
        %mul3A_174 = arith.muli %rem3A_172, %mul3A_173 : i32
        %multiple_of3A_175 = tpu.assume_multiple %mul3A_174, 8 : i32
        %rem3A_176 = arith.constant 2 : i32
        %rem3A_177 = arith.remsi %while3A_51, %rem3A_176 : i32
        %dma_wait3A = arith.constant 0 : i32
        %dma_wait3A_178 = arith.constant 0 : i32
        %dma_wait3A_179 = arith.constant 0 : i32
        %dma_wait3A_180 = tpu.memref_slice %arg8[%rem3A_177, %dma_wait3A_178, %dma_wait3A_179] : memref<2x128x128xf32, #tpu.memory_space<vmem>> -> memref<1x128x128xf32, #tpu.memory_space<vmem>>
        %dma_wait3A_181 = tpu.memref_squeeze %dma_wait3A_180 : memref<1x128x128xf32, #tpu.memory_space<vmem>> -> memref<128x128xf32, #tpu.memory_space<vmem>>
        %dma_wait3A_182 = tpu.memref_slice %arg6[%dma_wait3A, %multiple_of3A_175] : memref<2x5120xi32, #tpu.memory_space<vmem>> -> memref<1x128xi32, #tpu.memory_space<vmem>>
        %dma_wait3A_183 = tpu.memref_squeeze %dma_wait3A_182 : memref<1x128xi32, #tpu.memory_space<vmem>> -> memref<128xi32, #tpu.memory_space<vmem>>
        %dma_wait3A_184 = arith.constant 0 : i32
        %dma_wait3A_185 = arith.constant 0 : i32
        %dma_wait3A_186 = tpu.memref_slice %arg2[%dma_wait3A_184, %dma_wait3A_185] : memref<10000x128xf32, #tpu.memory_space<hbm>> -> memref<10000x128xf32, #tpu.memory_space<hbm>>
        tpu.wait_indirect_dma semaphore(%arg9 : memref<!tpu.dma_semaphore, #tpu.memory_space<semaphore_mem>>) src(%dma_wait3A_186 : memref<10000x128xf32, #tpu.memory_space<hbm>>) dst(%dma_wait3A_181 : memref<128x128xf32, #tpu.memory_space<vmem>>)
        %add3A_187 = arith.constant 5120 : i32
        %add3A_188 = arith.addi %multiple_of3A, %add3A_187 : i32
        "tpu.region"() ({
          %run_scoped3A = tpu.sem_alloc : memref<!tpu.dma_semaphore, #tpu.memory_space<semaphore_mem>>
          %dma_start3A_212 = arith.constant 0 : i32
          %dma_start3A_213 = tpu.memref_slice %arg3[%dma_start3A_212, %add3A_188] : memref<2x320000xi32, #tpu.memory_space<hbm>> -> memref<2x5120xi32, #tpu.memory_space<hbm>>
          %dma_start3A_214 = arith.constant 0 : i32
          %dma_start3A_215 = tpu.memref_slice %arg3[%dma_start3A_214, %add3A_188] : memref<2x320000xi32, #tpu.memory_space<hbm>> -> memref<2x5120xi32, #tpu.memory_space<hbm>>
          tpu.enqueue_dma source(%dma_start3A_215 : memref<2x5120xi32, #tpu.memory_space<hbm>>) target(%arg6 : memref<2x5120xi32, #tpu.memory_space<vmem>>) target_semaphore(%run_scoped3A : memref<!tpu.dma_semaphore, #tpu.memory_space<semaphore_mem>>)
          %dma_wait3A_216 = arith.constant 0 : i32
          %dma_wait3A_217 = tpu.memref_slice %arg3[%dma_wait3A_216, %add3A_188] : memref<2x320000xi32, #tpu.memory_space<hbm>> -> memref<2x5120xi32, #tpu.memory_space<hbm>>
          %dma_wait3A_218 = arith.constant 0 : i32
          %dma_wait3A_219 = tpu.memref_slice %arg3[%dma_wait3A_218, %add3A_188] : memref<2x320000xi32, #tpu.memory_space<hbm>> -> memref<2x5120xi32, #tpu.memory_space<hbm>>
          tpu.wait_dma2 semaphore(%run_scoped3A : memref<!tpu.dma_semaphore, #tpu.memory_space<semaphore_mem>>) src(%dma_wait3A_219 : memref<2x5120xi32, #tpu.memory_space<hbm>>) dst(%arg6 : memref<2x5120xi32, #tpu.memory_space<vmem>>)
          tpu.yield
        }) : () -> ()
        %add3A_189 = arith.constant 1 : i32
        %add3A_190 = arith.addi %while3A_51, %add3A_189 : i32
        %rem3A_191 = arith.constant 40 : i32
        %rem3A_192 = arith.remsi %add3A_190, %rem3A_191 : i32
        %mul3A_193 = arith.constant 128 : i32
        %mul3A_194 = arith.muli %rem3A_192, %mul3A_193 : i32
        %multiple_of3A_195 = tpu.assume_multiple %mul3A_194, 8 : i32
        %add3A_196 = arith.constant 1 : i32
        %add3A_197 = arith.addi %while3A_51, %add3A_196 : i32
        %rem3A_198 = arith.constant 2 : i32
        %rem3A_199 = arith.remsi %add3A_197, %rem3A_198 : i32
        %dma_start3A_200 = arith.constant 0 : i32
        %dma_start3A_201 = arith.constant 0 : i32
        %dma_start3A_202 = arith.constant 0 : i32
        %dma_start3A_203 = tpu.memref_slice %arg8[%rem3A_199, %dma_start3A_201, %dma_start3A_202] : memref<2x128x128xf32, #tpu.memory_space<vmem>> -> memref<1x128x128xf32, #tpu.memory_space<vmem>>
        %dma_start3A_204 = tpu.memref_squeeze %dma_start3A_203 : memref<1x128x128xf32, #tpu.memory_space<vmem>> -> memref<128x128xf32, #tpu.memory_space<vmem>>
        %dma_start3A_205 = tpu.memref_slice %arg6[%dma_start3A_200, %multiple_of3A_195] : memref<2x5120xi32, #tpu.memory_space<vmem>> -> memref<1x128xi32, #tpu.memory_space<vmem>>
        %dma_start3A_206 = tpu.memref_squeeze %dma_start3A_205 : memref<1x128xi32, #tpu.memory_space<vmem>> -> memref<128xi32, #tpu.memory_space<vmem>>
        %dma_start3A_207 = arith.constant 0 : i32
        %dma_start3A_208 = arith.constant 0 : i32
        %dma_start3A_209 = tpu.memref_slice %arg2[%dma_start3A_207, %dma_start3A_208] : memref<10000x128xf32, #tpu.memory_space<hbm>> -> memref<10000x128xf32, #tpu.memory_space<hbm>>
        tpu.enqueue_indirect_dma source(%dma_start3A_209 : memref<10000x128xf32, #tpu.memory_space<hbm>>) target(%dma_start3A_204 : memref<128x128xf32, #tpu.memory_space<vmem>>) offsets(%dma_start3A_206 : memref<128xi32, #tpu.memory_space<vmem>>) semaphore(%arg9 : memref<!tpu.dma_semaphore, #tpu.memory_space<semaphore_mem>>)
        %rem3A_210 = arith.constant 2 : i32
        %rem3A_211 = arith.remsi %while3A_51, %rem3A_210 : i32
        "tpu.region"() ({
          %run_scoped3A = tpu.sem_alloc : memref<!tpu.dma_semaphore, #tpu.memory_space<semaphore_mem>>
          %dma_start3A_212 = arith.constant 0 : i32
          %dma_start3A_213 = arith.constant 0 : i32
          %dma_start3A_214 = tpu.memref_slice %arg8[%rem3A_211, %dma_start3A_212, %dma_start3A_213] : memref<2x128x128xf32, #tpu.memory_space<vmem>> -> memref<1x128x128xf32, #tpu.memory_space<vmem>>
          %dma_start3A_215 = tpu.memref_squeeze %dma_start3A_214 : memref<1x128x128xf32, #tpu.memory_space<vmem>> -> memref<128x128xf32, #tpu.memory_space<vmem>>
          %dma_start3A_216 = arith.constant 0 : i32
          %dma_start3A_217 = arith.constant 0 : i32
          %dma_start3A_218 = tpu.memref_slice %arg5[%dma_start3A_216, %dma_start3A_217] : memref<10000x128xf32, #tpu.memory_space<vmem_shared>> -> memref<10000x128xf32, #tpu.memory_space<vmem_shared>>
          tpu.enqueue_indirect_dma source(%dma_start3A_215 : memref<128x128xf32, #tpu.memory_space<vmem>>) target(%dma_start3A_218 : memref<10000x128xf32, #tpu.memory_space<vmem_shared>>) offsets(%arg7 : memref<128xi32, #tpu.memory_space<vmem>>) semaphore(%run_scoped3A : memref<!tpu.dma_semaphore, #tpu.memory_space<semaphore_mem>>) {add = true}
          %dma_wait3A_219 = arith.constant 0 : i32
          %dma_wait3A_220 = arith.constant 0 : i32
          %dma_wait3A_221 = tpu.memref_slice %arg8[%rem3A_211, %dma_wait3A_219, %dma_wait3A_220] : memref<2x128x128xf32, #tpu.memory_space<vmem>> -> memref<1x128x128xf32, #tpu.memory_space<vmem>>
          %dma_wait3A_222 = tpu.memref_squeeze %dma_wait3A_221 : memref<1x128x128xf32, #tpu.memory_space<vmem>> -> memref<128x128xf32, #tpu.memory_space<vmem>>
          %dma_wait3A_223 = arith.constant 0 : i32
          %dma_wait3A_224 = arith.constant 0 : i32
          %dma_wait3A_225 = tpu.memref_slice %arg5[%dma_wait3A_223, %dma_wait3A_224] : memref<10000x128xf32, #tpu.memory_space<vmem_shared>> -> memref<10000x128xf32, #tpu.memory_space<vmem_shared>>
          tpu.wait_indirect_dma semaphore(%run_scoped3A : memref<!tpu.dma_semaphore, #tpu.memory_space<semaphore_mem>>) src(%dma_wait3A_222 : memref<128x128xf32, #tpu.memory_space<vmem>>) dst(%dma_wait3A_225 : memref<10000x128xf32, #tpu.memory_space<vmem_shared>>)
          tpu.yield
        }) : () -> ()
      } else {
      }
      %add3A_164 = arith.constant 1 : i32
      %add3A_165 = arith.addi %while3A_51, %add3A_164 : i32
      %ne3A = arith.constant 40 : i32
      %ne3A_166 = arith.cmpi ne, %add3A_165, %ne3A : i32
      %convert_element_type3A_167 = arith.extui %ne3A_166 : i1 to i32
      %cond3A_168 = arith.constant 0 : i32
      %cond3A_169 = arith.cmpi ne, %convert_element_type3A_167, %cond3A_168 : i32
      scf.if %cond3A_169 {
        %add3A_171 = arith.constant 1 : i32
        %add3A_172 = arith.addi %while3A_51, %add3A_171 : i32
        %lt3A_173 = arith.cmpi slt, %add3A_172, %select_n3A : i32
        %convert_element_type3A_174 = arith.extui %lt3A_173 : i1 to i32
        %cond3A_175 = arith.constant 0 : i32
        %cond3A_176 = arith.cmpi ne, %convert_element_type3A_174, %cond3A_175 : i32
        scf.if %cond3A_176 {
          %add3A_195 = arith.constant 1 : i32
          %add3A_196 = arith.addi %while3A_51, %add3A_195 : i32
          %rem3A_197 = arith.constant 40 : i32
          %rem3A_198 = arith.remsi %add3A_196, %rem3A_197 : i32
          %mul3A_199 = arith.constant 128 : i32
          %mul3A_200 = arith.muli %rem3A_198, %mul3A_199 : i32
          %multiple_of3A_201 = tpu.assume_multiple %mul3A_200, 8 : i32
          %add3A_202 = arith.constant 1 : i32
          %add3A_203 = arith.addi %while3A_51, %add3A_202 : i32
          %rem3A_204 = arith.constant 2 : i32
          %rem3A_205 = arith.remsi %add3A_203, %rem3A_204 : i32
          %dma_start3A_206 = arith.constant 0 : i32
          %dma_start3A_207 = arith.constant 0 : i32
          %dma_start3A_208 = arith.constant 0 : i32
          %dma_start3A_209 = tpu.memref_slice %arg8[%rem3A_205, %dma_start3A_207, %dma_start3A_208] : memref<2x128x128xf32, #tpu.memory_space<vmem>> -> memref<1x128x128xf32, #tpu.memory_space<vmem>>
          %dma_start3A_210 = tpu.memref_squeeze %dma_start3A_209 : memref<1x128x128xf32, #tpu.memory_space<vmem>> -> memref<128x128xf32, #tpu.memory_space<vmem>>
          %dma_start3A_211 = tpu.memref_slice %arg6[%dma_start3A_206, %multiple_of3A_201] : memref<2x5120xi32, #tpu.memory_space<vmem>> -> memref<1x128xi32, #tpu.memory_space<vmem>>
          %dma_start3A_212 = tpu.memref_squeeze %dma_start3A_211 : memref<1x128xi32, #tpu.memory_space<vmem>> -> memref<128xi32, #tpu.memory_space<vmem>>
          %dma_start3A_213 = arith.constant 0 : i32
          %dma_start3A_214 = arith.constant 0 : i32
          %dma_start3A_215 = tpu.memref_slice %arg2[%dma_start3A_213, %dma_start3A_214] : memref<10000x128xf32, #tpu.memory_space<hbm>> -> memref<10000x128xf32, #tpu.memory_space<hbm>>
          tpu.enqueue_indirect_dma source(%dma_start3A_215 : memref<10000x128xf32, #tpu.memory_space<hbm>>) target(%dma_start3A_210 : memref<128x128xf32, #tpu.memory_space<vmem>>) offsets(%dma_start3A_212 : memref<128xi32, #tpu.memory_space<vmem>>) semaphore(%arg9 : memref<!tpu.dma_semaphore, #tpu.memory_space<semaphore_mem>>)
        } else {
        }
        %rem3A_177 = arith.constant 40 : i32
        %rem3A_178 = arith.remsi %while3A_51, %rem3A_177 : i32
        %mul3A_179 = arith.constant 128 : i32
        %mul3A_180 = arith.muli %rem3A_178, %mul3A_179 : i32
        %multiple_of3A_181 = tpu.assume_multiple %mul3A_180, 8 : i32
        %rem3A_182 = arith.constant 2 : i32
        %rem3A_183 = arith.remsi %while3A_51, %rem3A_182 : i32
        %dma_wait3A = arith.constant 0 : i32
        %dma_wait3A_184 = arith.constant 0 : i32
        %dma_wait3A_185 = arith.constant 0 : i32
        %dma_wait3A_186 = tpu.memref_slice %arg8[%rem3A_183, %dma_wait3A_184, %dma_wait3A_185] : memref<2x128x128xf32, #tpu.memory_space<vmem>> -> memref<1x128x128xf32, #tpu.memory_space<vmem>>
        %dma_wait3A_187 = tpu.memref_squeeze %dma_wait3A_186 : memref<1x128x128xf32, #tpu.memory_space<vmem>> -> memref<128x128xf32, #tpu.memory_space<vmem>>
        %dma_wait3A_188 = tpu.memref_slice %arg6[%dma_wait3A, %multiple_of3A_181] : memref<2x5120xi32, #tpu.memory_space<vmem>> -> memref<1x128xi32, #tpu.memory_space<vmem>>
        %dma_wait3A_189 = tpu.memref_squeeze %dma_wait3A_188 : memref<1x128xi32, #tpu.memory_space<vmem>> -> memref<128xi32, #tpu.memory_space<vmem>>
        %dma_wait3A_190 = arith.constant 0 : i32
        %dma_wait3A_191 = arith.constant 0 : i32
        %dma_wait3A_192 = tpu.memref_slice %arg2[%dma_wait3A_190, %dma_wait3A_191] : memref<10000x128xf32, #tpu.memory_space<hbm>> -> memref<10000x128xf32, #tpu.memory_space<hbm>>
        tpu.wait_indirect_dma semaphore(%arg9 : memref<!tpu.dma_semaphore, #tpu.memory_space<semaphore_mem>>) src(%dma_wait3A_192 : memref<10000x128xf32, #tpu.memory_space<hbm>>) dst(%dma_wait3A_187 : memref<128x128xf32, #tpu.memory_space<vmem>>)
        %rem3A_193 = arith.constant 2 : i32
        %rem3A_194 = arith.remsi %while3A_51, %rem3A_193 : i32
        "tpu.region"() ({
          %run_scoped3A = tpu.sem_alloc : memref<!tpu.dma_semaphore, #tpu.memory_space<semaphore_mem>>
          %dma_start3A_195 = arith.constant 0 : i32
          %dma_start3A_196 = arith.constant 0 : i32
          %dma_start3A_197 = tpu.memref_slice %arg8[%rem3A_194, %dma_start3A_195, %dma_start3A_196] : memref<2x128x128xf32, #tpu.memory_space<vmem>> -> memref<1x128x128xf32, #tpu.memory_space<vmem>>
          %dma_start3A_198 = tpu.memref_squeeze %dma_start3A_197 : memref<1x128x128xf32, #tpu.memory_space<vmem>> -> memref<128x128xf32, #tpu.memory_space<vmem>>
          %dma_start3A_199 = arith.constant 0 : i32
          %dma_start3A_200 = arith.constant 0 : i32
          %dma_start3A_201 = tpu.memref_slice %arg5[%dma_start3A_199, %dma_start3A_200] : memref<10000x128xf32, #tpu.memory_space<vmem_shared>> -> memref<10000x128xf32, #tpu.memory_space<vmem_shared>>
          tpu.enqueue_indirect_dma source(%dma_start3A_198 : memref<128x128xf32, #tpu.memory_space<vmem>>) target(%dma_start3A_201 : memref<10000x128xf32, #tpu.memory_space<vmem_shared>>) offsets(%arg7 : memref<128xi32, #tpu.memory_space<vmem>>) semaphore(%run_scoped3A : memref<!tpu.dma_semaphore, #tpu.memory_space<semaphore_mem>>) {add = true}
          %dma_wait3A_202 = arith.constant 0 : i32
          %dma_wait3A_203 = arith.constant 0 : i32
          %dma_wait3A_204 = tpu.memref_slice %arg8[%rem3A_194, %dma_wait3A_202, %dma_wait3A_203] : memref<2x128x128xf32, #tpu.memory_space<vmem>> -> memref<1x128x128xf32, #tpu.memory_space<vmem>>
          %dma_wait3A_205 = tpu.memref_squeeze %dma_wait3A_204 : memref<1x128x128xf32, #tpu.memory_space<vmem>> -> memref<128x128xf32, #tpu.memory_space<vmem>>
          %dma_wait3A_206 = arith.constant 0 : i32
          %dma_wait3A_207 = arith.constant 0 : i32
          %dma_wait3A_208 = tpu.memref_slice %arg5[%dma_wait3A_206, %dma_wait3A_207] : memref<10000x128xf32, #tpu.memory_space<vmem_shared>> -> memref<10000x128xf32, #tpu.memory_space<vmem_shared>>
          tpu.wait_indirect_dma semaphore(%run_scoped3A : memref<!tpu.dma_semaphore, #tpu.memory_space<semaphore_mem>>) src(%dma_wait3A_205 : memref<128x128xf32, #tpu.memory_space<vmem>>) dst(%dma_wait3A_208 : memref<10000x128xf32, #tpu.memory_space<vmem_shared>>)
          tpu.yield
        }) : () -> ()
      } else {
      }
      %while3A_170 = arith.constant 0 : i32
      scf.yield %while3A_170 : i32
    }
    %barrier3A_45 = arith.constant 0 : index
    tpu.barrier barrier_id(%barrier3A_45)
    "tpu.region"() ({
      %run_scoped3A = tpu.sem_alloc : memref<!tpu.dma_semaphore, #tpu.memory_space<semaphore_mem>>
      %dma_start3A_51 = arith.constant 0 : i32
      %dma_start3A_52 = tpu.memref_slice %arg4[%arg0, %mul3A_6, %dma_start3A_51] : memref<2x10000x128xf32, #tpu.memory_space<hbm>> -> memref<1x624x128xf32, #tpu.memory_space<hbm>>
      %dma_start3A_53 = tpu.memref_squeeze %dma_start3A_52 : memref<1x624x128xf32, #tpu.memory_space<hbm>> -> memref<624x128xf32, #tpu.memory_space<hbm>>
      %dma_start3A_54 = arith.constant 0 : i32
      %dma_start3A_55 = tpu.memref_slice %arg5[%mul3A_6, %dma_start3A_54] : memref<10000x128xf32, #tpu.memory_space<vmem_shared>> -> memref<624x128xf32, #tpu.memory_space<vmem_shared>>
      tpu.enqueue_dma source(%dma_start3A_55 : memref<624x128xf32, #tpu.memory_space<vmem_shared>>) target(%dma_start3A_53 : memref<624x128xf32, #tpu.memory_space<hbm>>) target_semaphore(%run_scoped3A : memref<!tpu.dma_semaphore, #tpu.memory_space<semaphore_mem>>)
      %dma_wait3A = arith.constant 0 : i32
      %dma_wait3A_56 = tpu.memref_slice %arg4[%arg0, %mul3A_6, %dma_wait3A] : memref<2x10000x128xf32, #tpu.memory_space<hbm>> -> memref<1x624x128xf32, #tpu.memory_space<hbm>>
      %dma_wait3A_57 = tpu.memref_squeeze %dma_wait3A_56 : memref<1x624x128xf32, #tpu.memory_space<hbm>> -> memref<624x128xf32, #tpu.memory_space<hbm>>
      %dma_wait3A_58 = arith.constant 0 : i32
      %dma_wait3A_59 = tpu.memref_slice %arg5[%mul3A_6, %dma_wait3A_58] : memref<10000x128xf32, #tpu.memory_space<vmem_shared>> -> memref<624x128xf32, #tpu.memory_space<vmem_shared>>
      tpu.wait_dma2 semaphore(%run_scoped3A : memref<!tpu.dma_semaphore, #tpu.memory_space<semaphore_mem>>) src(%dma_wait3A_59 : memref<624x128xf32, #tpu.memory_space<vmem_shared>>) dst(%dma_wait3A_57 : memref<624x128xf32, #tpu.memory_space<hbm>>)
      tpu.yield
    }) : () -> ()
    %eq3A_46 = arith.constant 0 : i32
    %eq3A_47 = arith.cmpi eq, %arg1, %eq3A_46 : i32
    %convert_element_type3A_48 = arith.extui %eq3A_47 : i1 to i32
    %cond3A_49 = arith.constant 0 : i32
    %cond3A_50 = arith.cmpi ne, %convert_element_type3A_48, %cond3A_49 : i32
    scf.if %cond3A_50 {
      "tpu.region"() ({
        %run_scoped3A = tpu.sem_alloc : memref<!tpu.dma_semaphore, #tpu.memory_space<semaphore_mem>>
        %dma_start3A_51 = arith.constant 9984 : i32
        %dma_start3A_52 = arith.constant 0 : i32
        %dma_start3A_53 = tpu.memref_slice %arg4[%arg0, %dma_start3A_51, %dma_start3A_52] : memref<2x10000x128xf32, #tpu.memory_space<hbm>> -> memref<1x16x128xf32, #tpu.memory_space<hbm>>
        %dma_start3A_54 = tpu.memref_squeeze %dma_start3A_53 : memref<1x16x128xf32, #tpu.memory_space<hbm>> -> memref<16x128xf32, #tpu.memory_space<hbm>>
        %dma_start3A_55 = arith.constant 9984 : i32
        %dma_start3A_56 = arith.constant 0 : i32
        %dma_start3A_57 = tpu.memref_slice %arg5[%dma_start3A_55, %dma_start3A_56] : memref<10000x128xf32, #tpu.memory_space<vmem_shared>> -> memref<16x128xf32, #tpu.memory_space<vmem_shared>>
        tpu.enqueue_dma source(%dma_start3A_57 : memref<16x128xf32, #tpu.memory_space<vmem_shared>>) target(%dma_start3A_54 : memref<16x128xf32, #tpu.memory_space<hbm>>) target_semaphore(%run_scoped3A : memref<!tpu.dma_semaphore, #tpu.memory_space<semaphore_mem>>)
        %dma_wait3A = arith.constant 9984 : i32
        %dma_wait3A_58 = arith.constant 0 : i32
        %dma_wait3A_59 = tpu.memref_slice %arg4[%arg0, %dma_wait3A, %dma_wait3A_58] : memref<2x10000x128xf32, #tpu.memory_space<hbm>> -> memref<1x16x128xf32, #tpu.memory_space<hbm>>
        %dma_wait3A_60 = tpu.memref_squeeze %dma_wait3A_59 : memref<1x16x128xf32, #tpu.memory_space<hbm>> -> memref<16x128xf32, #tpu.memory_space<hbm>>
        %dma_wait3A_61 = arith.constant 9984 : i32
        %dma_wait3A_62 = arith.constant 0 : i32
        %dma_wait3A_63 = tpu.memref_slice %arg5[%dma_wait3A_61, %dma_wait3A_62] : memref<10000x128xf32, #tpu.memory_space<vmem_shared>> -> memref<16x128xf32, #tpu.memory_space<vmem_shared>>
        tpu.wait_dma2 semaphore(%run_scoped3A : memref<!tpu.dma_semaphore, #tpu.memory_space<semaphore_mem>>) src(%dma_wait3A_63 : memref<16x128xf32, #tpu.memory_space<vmem_shared>>) dst(%dma_wait3A_60 : memref<16x128xf32, #tpu.memory_space<hbm>>)
        tpu.yield
      }) : () -> ()
    } else {
    }
    return
  }
}

module attributes {stable_mosaic.version = 14 : i64} {
  func.func @_mlp_body(%arg0: memref<2x10000x128xf32, #tpu.memory_space<vmem>>, %arg1: memref<10000x128xf32, #tpu.memory_space<vmem>>, %arg2: memref<128x128xf32, #tpu.memory_space<vmem>>, %arg3: memref<1x128xf32, #tpu.memory_space<vmem>>, %arg4: memref<1x128xf32, #tpu.memory_space<vmem>>, %arg5: memref<1x128xf32, #tpu.memory_space<vmem>>, %arg6: memref<128x128xf32, #tpu.memory_space<vmem>>, %arg7: memref<1x128xf32, #tpu.memory_space<vmem>>, %arg8: memref<10000x128xf32, #tpu.memory_space<vmem>>) attributes {dimension_semantics = [], scalar_prefetch = 0 : i64, scratch_operands = 0 : i64, tpu.core_type = #tpu.core_type<tc>} {
    %get3A = arith.constant 0 : index
    %get3A_0 = arith.constant 0 : index
    %get3A_1 = arith.constant 0 : index
    %get3A_2 = vector.load %arg0[%get3A, %get3A_0, %get3A_1] : memref<2x10000x128xf32, #tpu.memory_space<vmem>>, vector<1x10000x128xf32>
    %get3A_3 = vector.shape_cast %get3A_2 : vector<1x10000x128xf32> to vector<10000x128xf32>
    %get3A_4 = arith.constant 1 : index
    %get3A_5 = arith.constant 0 : index
    %get3A_6 = arith.constant 0 : index
    %get3A_7 = vector.load %arg0[%get3A_4, %get3A_5, %get3A_6] : memref<2x10000x128xf32, #tpu.memory_space<vmem>>, vector<1x10000x128xf32>
    %get3A_8 = vector.shape_cast %get3A_7 : vector<1x10000x128xf32> to vector<10000x128xf32>
    %add3A = arith.addf %get3A_3, %get3A_8 : vector<10000x128xf32>
    %get3A_9 = arith.constant 0 : index
    %get3A_10 = arith.constant 0 : index
    %get3A_11 = vector.load %arg1[%get3A_9, %get3A_10] : memref<10000x128xf32, #tpu.memory_space<vmem>>, vector<10000x128xf32>
    %sub3A = arith.subf %add3A, %get3A_11 : vector<10000x128xf32>
    %get3A_12 = arith.constant 0 : index
    %get3A_13 = arith.constant 0 : index
    %get3A_14 = vector.load %arg2[%get3A_12, %get3A_13] : memref<128x128xf32, #tpu.memory_space<vmem>>, vector<128x128xf32>
    %dot_general3A = arith.constant dense<0.000000e+00> : vector<10000x128xf32>
    %dot_general3A_15 = tpu.matmul %sub3A, %get3A_14, %dot_general3A {dimension_numbers = #tpu.dot_dimension_numbers<[1], [0], [0], [1], [0, 0, 1, 1], [], []>, transpose_lhs_hint = false} : vector<10000x128xf32>, vector<128x128xf32>, vector<10000x128xf32> -> vector<10000x128xf32>
    %get3A_16 = arith.constant 0 : index
    %get3A_17 = arith.constant 0 : index
    %get3A_18 = vector.load %arg3[%get3A_16, %get3A_17] : memref<1x128xf32, #tpu.memory_space<vmem>>, vector<1x128xf32>
    %add3A_19 = vector.broadcast %get3A_18 : vector<1x128xf32> to vector<10000x128xf32>
    %add3A_20 = arith.addf %dot_general3A_15, %add3A_19 : vector<10000x128xf32>
    %reduce_sum3A = arith.constant dense<0.000000e+00> : vector<128xf32>
    %reduce_sum3A_21 = vector.multi_reduction <add>, %add3A_20, %reduce_sum3A [0] : vector<10000x128xf32> to vector<128xf32>
    %broadcast_in_dim3A = vector.shape_cast %reduce_sum3A_21 : vector<128xf32> to vector<1x128xf32>
    %div3A = arith.constant 1.000000e+04 : f32
    %div3A_22 = vector.broadcast %div3A : f32 to vector<1x128xf32>
    %div3A_23 = arith.divf %broadcast_in_dim3A, %div3A_22 : vector<1x128xf32>
    %sub3A_24 = vector.broadcast %div3A_23 : vector<1x128xf32> to vector<10000x128xf32>
    %sub3A_25 = arith.subf %add3A_20, %sub3A_24 : vector<10000x128xf32>
    %mul3A = arith.mulf %sub3A_25, %sub3A_25 : vector<10000x128xf32>
    %reduce_sum3A_26 = arith.constant dense<0.000000e+00> : vector<128xf32>
    %reduce_sum3A_27 = vector.multi_reduction <add>, %mul3A, %reduce_sum3A_26 [0] : vector<10000x128xf32> to vector<128xf32>
    %broadcast_in_dim3A_28 = vector.shape_cast %reduce_sum3A_27 : vector<128xf32> to vector<1x128xf32>
    %div3A_29 = arith.constant 1.000000e+04 : f32
    %div3A_30 = vector.broadcast %div3A_29 : f32 to vector<1x128xf32>
    %div3A_31 = arith.divf %broadcast_in_dim3A_28, %div3A_30 : vector<1x128xf32>
    %get3A_32 = arith.constant 0 : index
    %get3A_33 = arith.constant 0 : index
    %get3A_34 = vector.load %arg4[%get3A_32, %get3A_33] : memref<1x128xf32, #tpu.memory_space<vmem>>, vector<1x128xf32>
    %mul3A_35 = vector.broadcast %get3A_34 : vector<1x128xf32> to vector<10000x128xf32>
    %mul3A_36 = arith.mulf %mul3A_35, %sub3A_25 : vector<10000x128xf32>
    %add3A_37 = arith.constant 9.99999974E-6 : f32
    %add3A_38 = vector.broadcast %add3A_37 : f32 to vector<1x128xf32>
    %add3A_39 = arith.addf %div3A_31, %add3A_38 : vector<1x128xf32>
    %rsqrt3A = math.rsqrt %add3A_39 : vector<1x128xf32>
    %mul3A_40 = vector.broadcast %rsqrt3A : vector<1x128xf32> to vector<10000x128xf32>
    %mul3A_41 = arith.mulf %mul3A_36, %mul3A_40 : vector<10000x128xf32>
    %get3A_42 = arith.constant 0 : index
    %get3A_43 = arith.constant 0 : index
    %get3A_44 = vector.load %arg5[%get3A_42, %get3A_43] : memref<1x128xf32, #tpu.memory_space<vmem>>, vector<1x128xf32>
    %add3A_45 = vector.broadcast %get3A_44 : vector<1x128xf32> to vector<10000x128xf32>
    %add3A_46 = arith.addf %mul3A_41, %add3A_45 : vector<10000x128xf32>
    %max3A = arith.constant 0.000000e+00 : f32
    %max3A_47 = vector.broadcast %max3A : f32 to vector<10000x128xf32>
    %max3A_48 = arith.maximumf %add3A_46, %max3A_47 : vector<10000x128xf32>
    %get3A_49 = arith.constant 0 : index
    %get3A_50 = arith.constant 0 : index
    %get3A_51 = vector.load %arg6[%get3A_49, %get3A_50] : memref<128x128xf32, #tpu.memory_space<vmem>>, vector<128x128xf32>
    %dot_general3A_52 = arith.constant dense<0.000000e+00> : vector<10000x128xf32>
    %dot_general3A_53 = tpu.matmul %max3A_48, %get3A_51, %dot_general3A_52 {dimension_numbers = #tpu.dot_dimension_numbers<[1], [0], [0], [1], [0, 0, 1, 1], [], []>, transpose_lhs_hint = false} : vector<10000x128xf32>, vector<128x128xf32>, vector<10000x128xf32> -> vector<10000x128xf32>
    %get3A_54 = arith.constant 0 : index
    %get3A_55 = arith.constant 0 : index
    %get3A_56 = vector.load %arg7[%get3A_54, %get3A_55] : memref<1x128xf32, #tpu.memory_space<vmem>>, vector<1x128xf32>
    %add3A_57 = vector.broadcast %get3A_56 : vector<1x128xf32> to vector<10000x128xf32>
    %add3A_58 = arith.addf %dot_general3A_53, %add3A_57 : vector<10000x128xf32>
    %swap3A = arith.constant 0 : index
    %swap3A_59 = arith.constant 0 : index
    %swap3A_60 = vector.load %arg8[%swap3A, %swap3A_59] : memref<10000x128xf32, #tpu.memory_space<vmem>>, vector<10000x128xf32>
    tpu.vector_store %arg8[%swap3A, %swap3A_59], %add3A_58 {strides = array<i32>} : memref<10000x128xf32, #tpu.memory_space<vmem>>, vector<10000x128xf32>,
    return
  }
}

</mosaic_0001>

<sc_bundles>
// kernel: kernel.4.cloned.1.call-start
scs
__scs_entry_jumppad:
0x0: {  	(pc) =	sbr.rel $0x88, $3  }
0x1: {  	(tag) =	ssettag $0x0;
	lr =	simm.s32 $0x1  }
0x2: {  	[smem:$0x3F99] =	sst lr;
	_ =	strace $0xD0000000  }
0x3: {  	_ = 	snop  }
0x4: {  	_ = 	snop  }
0x5: {  	_ = 	snop  }
0x6: {  	_ = 	snop  }
0x7: {  	_ = 	snop  }
__scs_overlays_trampoline_lowered:
0x8: {  	[smem:$0x3FA8] =	sst s0  }
0x9: {  	[smem:$0x3FA9] =	sst s1  }
0xa: {  	[smem:$0x3FAA] =	sst s2  }
0xb: {  	[smem:$0x3FAB] =	sst s3  }
0xc: {  	[smem:$0x3FAC] =	sst s4  }
0xd: {  	[smem:$0x3FAD] =	sst s5  }
0xe: {  	[smem:$0x3FAE] =	sst s6  }
0xf: {  	[smem:$0x3FAF] =	sst s7  }
0x10: {  	[smem:$0x3FB0] =	sst s8  }
0x11: {  	[smem:$0x3FB1] =	sst s9;
	s0 =	simm.s32 @!p0 $0x0  }
0x12: {  	s1 =	sld [smem:$0x3F97];
	s0 =	simm.s32 @p0 $0x1  }
0x13: {  	[smem:$0x3FB2] =	sst s0;
	s0 =	simm.s32 @!p1 $0x0  }
0x14: {  	s2 =	sld [smem:$0x3F96];
	s0 =	simm.s32 @p1 $0x1  }
0x15: {  	[smem:$0x3FB3] =	sst s0;
	s0 =	simm.s32 @!p2 $0x0  }
0x16: {  	s3 =	sld [smem:$0x3FDB];
	s0 =	simm.s32 @p2 $0x1  }
0x17: {  	s4 =	simm.s32 $0x1BF5;
	[smem:$0x3FB5] =	sst s0  }
0x18: {  	s0 =	sld [smem:$0x3F98];
	_ =	swait.ge [sflag:s4], $0x0  }
0x19: {  	s7 =	sld [smem:$0x3F99]  }
0x1a: {  	s8 =	sadd.s32 $0xFFFFE003, lr  }
0x1b: {  	s9 =	sadd.s32 $0xFFFFFEF7, lr;
	s5 =	simm.s32 $0xFFFFFFFF;
	p2 =	slt.u32 s8, $0xFFFFF086  }
0x1c: {  	p1 =	slt.u32 s9, $0xF7A;
	s5 =	simm.s32 @!p2 $0x0  }
0x1d: {  	s5 =	simm.s32 @p1 $0x1;
	p0 =	seq.s32 s7, s2  }
0x1e: {  	s7 =	smul.u32 @!p0 $0xF7A, s2;
	p2 =	seq.s32 @!p0 s5, $0x0  }
0x1f: {  	s9 =	smul.u32 $0xF7A, s1;
	s8 =	simm.s32 @!p0 $0x1BF5;
	p2 =	por !p2, p0  }
0x20: {  	[sflag:s8] =	ssyncset.s32 @!p0 $0xFFFFF086;
	s6 =	sadd.s32 @!p0 s3, s7;
	s7 =	simm.s32 @!p0 $0x108  }
0x21: {  	s3 =	sadd.s32 s3, s9;
	s6 =	sadd.s32 @!p0 $0x88, s6;
	s7 =	simm.s32 @p2 $0x1082  }
0x22: {  	[simem:s7], [sflag:s8] =	dma.local @!p0 [hbm:s6], $0xF7A  }
0x23: {  	s9 =	sor.u32 $0xD0000000, s2;
	s6 =	simm.s32 $0x108;
	_ =	swait.ge @!p0 [sflag:s8], $0x0  }
0x24: {  	s3 =	sadd.s32 $0x88, s3;
	s6 =	simm.s32 @!p1 $0x1082;
	[sflag:s4] =	ssyncset.s32 $0xFFFFF086  }
0x25: {  	[simem:s6], [sflag:s4] =	dma.local [hbm:s3], $0xF7A  }
0x26: {  	[smem:$0x3F99] =	sst s1;
	(tag) =	ssettag s2;
	_ =	strace s9  }
0x27: {  	s1 =	sld [smem:$0x3FA9]  }
0x28: {  	s2 =	sld [smem:$0x3FAA]  }
0x29: {  	s4 =	sld [smem:$0x3FAC]  }
0x2a: {  	p0 =	seq.s32 s5, $0x0;
	s5 =	sld [smem:$0x3FAD]  }
0x2b: {  	s6 =	sld [smem:$0x3FAE]  }
0x2c: {  	s7 =	sld [smem:$0x3FAF]  }
0x2d: {  	s3 =	simm.s32 $0x108;
	s8 =	sld [smem:$0x3FB0]  }
0x2e: {  	s3 =	simm.s32 @!p0 $0x1082;
	s9 =	sld [smem:$0x3FB1]  }
0x2f: {  	lr =	sadd.s32 s0, s3;
	s0 =	sld [smem:$0x3FA8]  }
0x30: {  	s3 =	sld [smem:$0x3FAB]  }
0x31: {  	[smem:$0x3FB4] =	sst s10  }
0x32: {  	s10 =	sld [smem:$0x3FB2];
	_ =	sdelay $0x3  }
0x33: {  	p0 =	seq.s32 s10, $0x1;
	s10 =	sld [smem:$0x3FB4];
	_ =	sdelay $0x3  }
0x34: {  	[smem:$0x3FB4] =	sst s10  }
0x35: {  	s10 =	sld [smem:$0x3FB3];
	_ =	sdelay $0x3  }
0x36: {  	p1 =	seq.s32 s10, $0x1;
	s10 =	sld [smem:$0x3FB4];
	_ =	sdelay $0x3  }
0x37: {  	[smem:$0x3FB4] =	sst s10  }
0x38: {  	s10 =	sld [smem:$0x3FB5]  }
0x39: {  	_ = 	snop;
	(pc) =	sbr.ind lr, $3  }
0x3a: {  	_ = 	snop  }
0x3b: {  	_ = 	snop  }
0x3c: {  	p2 =	seq.s32 s10, $0x1;
	s10 =	sld [smem:$0x3FB4]  }
0x3d: {  	_ =	shalt  }
0x3e: {  	_ =	shalt  }
0x3f: {  	_ =	shalt  }
0x40: {  	_ =	shalt  }
0x41: {  	_ =	shalt  }
0x42: {  	_ =	shalt  }
0x43: {  	_ =	shalt  }
0x44: {  	_ =	shalt  }
0x45: {  	_ =	shalt  }
0x46: {  	_ =	shalt  }
0x47: {  	_ =	shalt  }
0x48: {  	_ =	shalt  }
0x49: {  	_ =	shalt  }
0x4a: {  	_ =	shalt  }
0x4b: {  	_ =	shalt  }
0x4c: {  	_ =	shalt  }
0x4d: {  	_ =	shalt  }
0x4e: {  	_ =	shalt  }
0x4f: {  	_ =	shalt  }
0x50: {  	_ =	shalt  }
0x51: {  	_ =	shalt  }
0x52: {  	_ =	shalt  }
0x53: {  	_ =	shalt  }
0x54: {  	_ =	shalt  }
0x55: {  	_ =	shalt  }
0x56: {  	_ =	shalt  }
0x57: {  	_ =	shalt  }
0x58: {  	_ =	shalt  }
0x59: {  	_ =	shalt  }
0x5a: {  	_ =	shalt  }
0x5b: {  	_ =	shalt  }
0x5c: {  	_ =	shalt  }
0x5d: {  	_ =	shalt  }
0x5e: {  	_ =	shalt  }
0x5f: {  	_ =	shalt  }
0x60: {  	_ =	shalt  }
0x61: {  	_ =	shalt  }
0x62: {  	_ =	shalt  }
0x63: {  	_ =	shalt  }
0x64: {  	_ =	shalt  }
0x65: {  	_ =	shalt  }
0x66: {  	_ =	shalt  }
0x67: {  	_ =	shalt  }
0x68: {  	_ =	shalt  }
0x69: {  	_ =	shalt  }
0x6a: {  	_ =	shalt  }
0x6b: {  	_ =	shalt  }
0x6c: {  	_ =	shalt  }
0x6d: {  	_ =	shalt  }
0x6e: {  	_ =	shalt  }
0x6f: {  	_ =	shalt  }
0x70: {  	_ =	shalt  }
0x71: {  	_ =	shalt  }
0x72: {  	_ =	shalt  }
0x73: {  	_ =	shalt  }
0x74: {  	_ =	shalt  }
0x75: {  	_ =	shalt  }
0x76: {  	_ =	shalt  }
0x77: {  	_ =	shalt  }
0x78: {  	_ =	shalt  }
0x79: {  	_ =	shalt  }
0x7a: {  	_ =	shalt  }
0x7b: {  	_ =	shalt  }
0x7c: {  	_ =	shalt  }
0x7d: {  	_ =	shalt  }
0x7e: {  	_ =	shalt  }
0x7f: {  	_ =	shalt  }
0x80: {  	_ =	shalt  }
0x81: {  	_ =	shalt  }
0x82: {  	_ =	shalt  }
0x83: {  	_ =	shalt  }
0x84: {  	_ =	shalt  }
0x85: {  	_ =	shalt  }
0x86: {  	_ =	shalt  }
0x87: {  	_ =	shalt  }
.Lfunc_end0:
.L_simem_size_0:
called_computation_lowered:
.L_overlay_start_0:
0x88: {  	s2 =	sld [smem:$0x3FD9]  }
0x89: {  	s3 =	sld [smem:$0x3FFE];
	_ =	sdelay $0x1  }
0x8a: {  	s1 =	srdreg.scid  }
0x8b: {  	s0 =	sand.u32 $0x1, s1  }
0x8c: {  	s17 =	sshll.u32 s0, $0xA;
	s2 =	sadd.s32 s3, s2  }
0x8d: {  	s2 =	sadd.s32 s2, s17  }
0x8e: {  	[smem:$0x3FC0] =	sst s2  }
0x8f: {  	_ = 	snop  }
0x90: {  	s2 =	sld [smem:$0x3FC9]  }
0x91: {  	s18 =	sld [smem:$0x3FC8];
	(tm) =	ssettm $0x1  }
0x92: {  	s4 =	sld [smem:$0x3FFB];
	_ =	sdelay $0x3  }
0x93: {  	_ =	strace s4  }
0x94: {  	s4 =	sld [smem:$0x3FFC];
	_ =	sdelay $0x3  }
0x95: {  	_ =	strace s4  }
0x96: {  	s4 =	sld [smem:$0x3FFD];
	_ =	sdelay $0x3  }
0x97: {  	_ =	strace s4  }
0x98: {  	_ =	strace $0x8FFFFFFF  }
0x99: {  	s19 =	sld [smem:$0x3FDB];
	_ =	sdelay $0x1  }
0x9a: {  	s5 =	simm.s32 $_scs_section_size  }
0x9b: {  	s6 =	simm.s32 $_size__tile_overlayer_lowered;
	s7 =	simm.s32 $_tile_overlayer_lowered  }
0x9c: {  	s22 =	simm.s32 $0x1BFF;
	s21 =	sshll.u32 s7, $0x1;
	s4 =	sadd.s32 s5, s19  }
0x9d: {  	s8 =	simm.s32 $0x0;
	s20 =	sshll.u32 s6, $0x1;
	s6 =	sadd.s32 s21, s4  }
0x9e: {  	[timem:s8], [sflag:s22] =	dma.local [hbm:s6], s20  }
0x9f: {  	_ =	swait.ge [sflag:s22], s20  }
0xa0: {  	s5 =	ssub.s32 $0x0, s20;
	[sflag:s22] =	ssyncset.done $0x0  }
0xa1: {  	[sflag:s22] =	ssyncadd.s32 s5;
	_ =	sdelay $0x1  }
0xa2: {  	s23 =	simm.s32 $0x1B8B  }
0xa3: {  	_ =	swait.ge [sflag:s23], $0x1  }
0xa4: {  	[sflag:s23] =	ssyncset.done $0x0  }
0xa5: {  	s25 =	simm.s32 $0x1B8E;
	s24 =	sld [smem:$0x3FFE];
	[sflag:s23] =	ssyncadd.s32 $0xFFFFFFFF  }
0xa6: {  	s26 =	simm.s32 $execute0_lowered;
	[smem:$0x3FD2] =	sst s25  }
0xa7: {  	s6 =	sshll.u32 s26, $0x1;
	_ =	strace $0x80000046;
	[dreg:$0x1] =	wrdreg $0xFFFFFFFF  }
0xa8: {  	s28 =	simm.s32 $_size_execute0_lowered;
	s4 =	sadd.s32 s4, s6;
	[dreg:$0x0] =	wrdreg $0x0  }
0xa9: {  	s6 =	sshll.u32 s28, $0x1;
	[dreg:$0x2] =	wrdreg s4  }
0xaa: {  	[dreg:$0x3] =	wrdreg s6  }
0xab: {  	[dreg:$0x4] =	wrdreg $0xC0  }
0xac: {  	_ =	task [dreg:s8], $0x5FFFF  }
0xad: {  	[dreg:$0x1] =	wrdreg $0xFFFFFFFF  }
0xae: {  	[dreg:$0x0] =	wrdreg $0x60  }
0xaf: {  	[dreg:$0x2] =	wrdreg s2  }
0xb0: {  	[dreg:$0x3] =	wrdreg s18  }
0xb1: {  	[dreg:$0x4] =	wrdreg s24  }
0xb2: {  	[dreg:$0x5] =	wrdreg $0x0  }
0xb3: {  	[dreg:$0x6] =	wrdreg $0x9  }
0xb4: {  	_ =	task.clear_ibuf [dreg:s8], $0x7FFFF;
	_ =	strace $0x90000046  }
0xb5: {  	s29 =	simm.s32 $0x9;
	_ =	strace $0x80000048  }
0xb6: {  	_ =	swait.ge [sflag:s29], $0x1  }
0xb7: {  	[sflag:s29] =	ssyncadd.s32 $0xFFFFFFFF  }
0xb8: {  	_ =	strace $0x90000048  }
0xb9: {  	_ =	sfence  }
0xba: {  	s30 =	sld [smem:$0x0];
	_ =	sdelay $0x2  }
0xbb: {  	s31 =	sshll.u32 s1, $0xD;
	s1 =	sshrl.u32 s1, $0x2  }
0xbc: {  	s3 =	sand.u32 $0x4000, s31;
	s1 =	sadd.s32 s1, s30  }
0xbd: {  	s0 =	sor.u32 s3, s0;
	s1 =	sshll.u32 s1, $0x11  }
0xbe: {  	s0 =	sor.u32 s1, s0  }
0xbf: {  	s0 =	sadd.s32 $0x8F2B, s0  }
0xc0: {  	[sflag:s0] =	ssyncadd.remote.s32 $0x1  }
0xc1: {  	_ =	sfence.sel $0xFFFF  }
0xc2: {  	[dreg:$0x0] =	wrdreg $0xFFFFFFFF;
	(pc) =	sbr.abs _section_cstart, $3  }
0xc3: {  	[dreg:$0x1] =	wrdreg $0xFFFFFFFF  }
0xc4: {  	_ =	task.clear_ibuf [dreg:s8], $0x2FFFF;
	_ =	strace $0x9FFFFFFF  }
0xc5: {  	(tm) =	ssettm $0x7FFFFFFF  }
tec
execute0_lowered:
.L_overlay_start_1:
0x0: {  	(tag) =	ssettag $0x1  }
0x1: {  	s1 =	rddreg [dreg:$0x0]  }
0x2: {  	s10 =	rddreg [dreg:$0x1]  }
0x3: {  	s4 =	rddreg [dreg:$0x2]  }
0x4: {  	s2 =	rddreg [dreg:$0x3]  }
0x5: {  	s0 =	rddreg [dreg:$0x4]  }
0x6: {  	s3 =	simm.s32 $0x0;
	s5 =	srdreg.scid;
	s13 =	stileid.u32  }
0x7: {  	[smem:$0x7FF] =	sst s3;
	s7 =	smul.u32 $0x4E000, s13  }
0x8: {  	s8 =	sand.u32 $0x1, s5;
	s11 =	sadd.s32 $0x1400, s4;
	s14 =	smul.u32 $0x13800, s13  }
0x9: {  	s4 =	simm.s32 $0x14;
	s26 =	sshll.u32 s13, $0x6;
	s17 =	sadd.s32 $0x138000, s2  }
0xa: {  	p1 =	sne.s32 s13, $0x0;
	_ =	strace $0x80000047;
	s22 =	ssub.s32 $0x2, s8  }
0xb: {  	s6 =	sshll.u32 s8, $0x4;
	s18 =	smul.u32 $0x138800, s8;
	s23 =	sshrl.u32 s22, $0x1  }
0xc: {  	s9 =	sor.u32 s13, s6;
	s24 =	sshrl.u32 s7, $0x2;
	s25 =	sshrl.u32 s14, $0x3  }
0xd: {  	s6 =	sor.u32 $0x1C02, s26;
	s7 =	sadd.s32 $0x27000, s1;
	s12 =	ssub.s32 s22, s23  }
0xe: {  	p0 =	seq.s32 s9, $0x1F;
	s15 =	sadd.s32 s24, s2;
	s16 =	smul.u32 $0x5000, s9  }
0xf: {  	s5 =	sadd.s32 s1, s25;
	s9 =	smul.u32 $0xA00, s9;
	s14 =	sadd.s32 s14, s18  }
0x10: {  	s28 =	sshrl.u32 s18, $0x3;
	s18 =	simm.s32 $0x16100;
	s4 =	simm.s32 @!p0 $0x50  }
0x11: {  	s29 =	sshrl.u32 s14, $0x3;
	s30 =	sadd.s32 s11, s28;
	s12 =	smax.u32 s12, $0x1  }
0x12: {  	s13 =	sshrl.u32 s15, $0x3;
	s14 =	simm.s32 $0x2;
	s15 =	sshrl.u32 @!p1 s17, $0x3  }
0x13: {  	s17 =	simm.s32 $0x13880;
	s16 =	sshrl.u32 s16, $0x3;
	s8 =	sadd.s32 s10, s9  }
0x14: {  	s9 =	sadd.s32 $0x13600, s10;
	s31 =	sshll.u32 s4, $0xA;
	s10 =	sadd.s32 s10, s16  }
0x15: {  	[dreg:$0x6] =	wrdreg s31;
	s16 =	simm.s32 $0x80;
	s10 =	sadd.s32 $0x500, s10  }
0x16: {  	[dreg:$0x5] =	wrdreg s10;
	s10 =	sadd.s32 s11, s29;
	s11 =	sadd.s32 $0x27000, s30  }
.LBB2_1:
0x17: {  	[spmem:s13], [sflag:s6] =	dma.local [hbm:s5], $0x2700  }
0x18: {  	_ =	swait.ge [sflag:s14], $0x2700  }
0x19: {  	[sflag:s14] =	ssyncset.done $0x0  }
0x1a: {  	s19 =	simm.s32 @!p1 $0x2;
	[sflag:s14] =	ssyncadd.s32 $0xFFFFD900  }
0x1b: {  	[spmem:s15], [sflag:s6] =	dma.local @!p1 [hbm:s7], $0x100  }
0x1c: {  	_ =	swait.ge @!p1 [sflag:s19], $0x100  }
0x1d: {  	[sflag:s19] =	ssyncset.done @!p1 $0x0  }
0x1e: {  	s20 =	simm.s32 @p0 $0x13880;
	[sflag:s19] =	ssyncadd.s32 @!p1 $0xFFFFFF00;
	s19 =	simm.s32 @p0 $0x0  }
0x1f: {  	[tilespmem:s20], [sflag:$0x2] =	stream.linear.gather @p0 [hbm4b:s9+s19], $0x1400, $0x38;
	[tilespmem:$0x1E100] =	vst v63  }
0x20: {  	s19 =	simm.s32 @p0 $0x2  }
0x21: {  	_ =	swait.ge @p0 [sflag:s19], $0x1400  }
0x22: {  	[sflag:s19] =	ssyncset.done @p0 $0x0  }
0x23: {  	s20 =	simm.s32 @!p0 $0x13880;
	[sflag:s19] =	ssyncadd.s32 @p0 $0xFFFFEC00;
	s19 =	simm.s32 @!p0 $0x0  }
0x24: {  	[tilespmem:s20], [sflag:$0x2] =	stream.linear.gather @!p0 [hbm4b:s8+s19], $0x2800, $0x38;
	[tilespmem:$0x1E100] =	vst v63  }
0x25: {  	s19 =	simm.s32 @!p0 $0x2  }
0x26: {  	_ =	swait.ge @!p0 [sflag:s19], $0x2800  }
0x27: {  	[sflag:s19] =	ssyncset.done @!p0 $0x0  }
0x28: {  	s21 =	simm.s32 $0x0;
	s22 =	simm.s32 $0x0;
	[sflag:s19] =	ssyncadd.s32 @!p0 $0xFFFFD800  }
0x29: {  	s20 =	simm.s32 $0x10000;
	s19 =	simm.s32 $0x1;
	[bflag:$0x0] =	sbarrier.arrive $0xFFFF  }
0x2a: {  	[tilespmem:s18], [sflag:$0x1] =	stream.indirect.gather [hbm4b:s1+s16], $0x80, s17, s16, $0xb8;
	[tilespmem:$0x1E100] =	vst v63  }
.LBB2_2:
0x2b: {  	s23 =	smulhi.u32 $0xCCCCCCCD, s22;
	_ =	sdelay $0x1  }
0x2c: {  	s23 =	sshrl.u32 s23, $0x5  }
0x2d: {  	s23 =	smul.u32 $0xFFFF6000, s23;
	_ =	sdelay $0x1  }
0x2e: {  	s24 =	sshra.s32 s21, $0x2;
	s23 =	sshra.s32 s23, $0x2  }
0x2f: {  	s23 =	sadd.s32 s24, s23  }
0x30: {  	s23 =	sadd.s32 $0x13880, s23  }
0x31: {  	v0 =	vld [tilespmem:s23+$0x80];
	_ =	sdelay $0x4  }
0x32: {  	[tilespmem:$0x16080] =	vst v0  }
0x33: {  	v0 =	vld [tilespmem:s23+$0x90];
	_ =	sdelay $0x4  }
0x34: {  	[tilespmem:$0x16090] =	vst v0  }
0x35: {  	v0 =	vld [tilespmem:s23+$0xA0];
	_ =	sdelay $0x4  }
0x36: {  	[tilespmem:$0x160A0] =	vst v0  }
0x37: {  	v0 =	vld [tilespmem:s23+$0xB0];
	_ =	sdelay $0x4  }
0x38: {  	[tilespmem:$0x160B0] =	vst v0  }
0x39: {  	v0 =	vld [tilespmem:s23+$0xC0];
	_ =	sdelay $0x4  }
0x3a: {  	[tilespmem:$0x160C0] =	vst v0  }
0x3b: {  	v0 =	vld [tilespmem:s23+$0xD0];
	_ =	sdelay $0x4  }
0x3c: {  	[tilespmem:$0x160D0] =	vst v0  }
0x3d: {  	v0 =	vld [tilespmem:s23+$0xE0];
	_ =	sdelay $0x3  }
0x3e: {  	s29 =	smulhi.u32 $0xCCCCCCCD, s19  }
0x3f: {  	[tilespmem:$0x160E0] =	vst v0  }
0x40: {  	p2 =	sne.s32 s21, $0x9C00;
	s24 =	sshrl.u32 s29, $0x5;
	v0 =	vld [tilespmem:s23+$0xF0]  }
0x41: {  	p3 =	sge.u32 @p2 s19, s4;
	s30 =	smul.u32 $0xFFFF6000, s24  }
0x42: {  	p3 =	por p3, !p2  }
0x43: {  	s24 =	sand.u32 @!p3 $0x10000, s20;
	s23 =	sshra.s32 s30, $0x2  }
0x44: {  	s25 =	sshra.s32 @!p3 s21, $0x2;
	s24 =	sshrl.u32 @!p3 s24, $0x2;
	s23 =	sadd.s32 $0x13980, s23  }
0x45: {  	s24 =	sadd.s32 @!p3 $0x16100, s24;
	s23 =	sadd.s32 @!p3 s25, s23;
	s25 =	simm.s32 @!p3 $0x80;
	[tilespmem:$0x160F0] =	vst v0  }
0x46: {  	[tilespmem:s24], [sflag:$0x1] =	stream.indirect.gather @!p3 [hbm4b:s1+s25], $0x80, s23, s25, $0xb8;
	[tilespmem:$0x1E100] =	vst v63  }
0x47: {  	s23 =	sadd.s32 @p2 $0xFFFF0000, s20;
	s24 =	simm.s32 @p2 $0x1  }
0x48: {  	s23 =	sand.u32 @p2 $0x10000, s23;
	_ =	swait.ge @p2 [sflag:s24], $0x4000  }
0x49: {  	s25 =	simm.s32 @p2 $0x16080;
	s23 =	sshrl.u32 @p2 s23, $0x2;
	[sflag:s24] =	ssyncset.done @p2 $0x0  }
0x4a: {  	s23 =	sadd.s32 @p2 $0x16100, s23;
	[sflag:s24] =	ssyncadd.s32 @p2 $0xFFFFC000;
	s24 =	simm.s32 @p2 $0x80  }
0x4b: {  	[spmem:s2] =	stream.indirect.scatter.add.f32 @p2 [tilespmem:s23], [sflag:$0x2], $0x80, s25, s24, $0xb8;
	[tilespmem:$0x1E100] =	vst v63  }
0x4c: {  	s23 =	simm.s32 @!p2 $0x1  }
0x4d: {  	_ =	swait.ge @!p2 [sflag:s23], $0x4000  }
0x4e: {  	s25 =	simm.s32 @!p2 $0x13880;
	[sflag:s23] =	ssyncset.done @!p2 $0x0  }
0x4f: {  	s24 =	rddreg [dreg:$0x5];
	[sflag:s23] =	ssyncadd.s32 @!p2 $0xFFFFC000;
	s23 =	simm.s32 @!p2 $0x0  }
0x50: {  	[tilespmem:s25], [sflag:$0x3] =	stream.linear.gather @!p2 [hbm4b:s24+s23], $0x2800, $0x38;
	[tilespmem:$0x1E100] =	vst v63  }
0x51: {  	s24 =	simm.s32 @!p2 $0x3  }
0x52: {  	s23 =	sadd.s32 @!p2 $0xFFFF0000, s20;
	_ =	swait.ge @!p2 [sflag:s24], $0x2800  }
0x53: {  	s26 =	simm.s32 @!p2 $0x80;
	s23 =	sand.u32 @!p2 $0x10000, s23;
	[sflag:s24] =	ssyncset.done @!p2 $0x0  }
0x54: {  	s28 =	simm.s32 @!p2 $0x16100;
	s23 =	sshrl.u32 @!p2 s23, $0x2;
	[sflag:s24] =	ssyncadd.s32 @!p2 $0xFFFFD800  }
0x55: {  	[tilespmem:s28], [sflag:$0x1] =	stream.indirect.gather @!p2 [hbm4b:s1+s26], $0x80, s25, s26, $0xb8;
	[tilespmem:$0x1E100] =	vst v63  }
0x56: {  	s23 =	sadd.s32 @!p2 $0x16100, s23;
	s24 =	simm.s32 @p2 $0x2;
	s25 =	simm.s32 @!p2 $0x16080  }
0x57: {  	[spmem:s2] =	stream.indirect.scatter.add.f32 @!p2 [tilespmem:s23], [sflag:$0x3], $0x80, s25, s26, $0xb8;
	[tilespmem:$0x1E100] =	vst v63  }
0x58: {  	_ =	swait.ge [sflag:s24], $0x4000  }
0x59: {  	s21 =	sadd.s32 $0x400, s21;
	s31 =	rddreg [dreg:$0x6]  }
0x5a: {  	p2 =	sne.s32 s31, s21  }
.Ltmp0:
0x5b: {  	_ = 	snop;
	(pc) =	sbr.rel @p2 .LBB2_2-.Ltmp0, $3  }
0x5c: {  	_ =	sdelay $0x1  }
0x5d: {  	s22 =	sadd.s32 $0x1, s22;
	[sflag:s24] =	ssyncset.done $0x0  }
0x5e: {  	s19 =	sadd.s32 $0x1, s19;
	s20 =	sadd.s32 $0x10000, s20;
	[sflag:s24] =	ssyncadd.s32 $0xFFFFC000  }
0x5f: {  	[bflag:$0x0] =	sbarrier.arrive $0xFFFF  }
0x60: {  	[hbm:s10], [sflag:s6] =	dma.local [spmem:s13], $0x2700  }
0x61: {  	s3 =	sadd.s32 $0x1, s3;
	_ =	swait.ge [sflag:s14], $0x2700  }
0x62: {  	p2 =	sne.s32 s3, s12;
	[sflag:s14] =	ssyncset.done $0x0  }
.Ltmp1:
0x63: {  	s19 =	simm.s32 @!p1 $0x2;
	[sflag:s14] =	ssyncadd.s32 $0xFFFFD900;
	(pc) =	sbr.rel @p2 .LBB2_1-.Ltmp1, $4  }
0x64: {  	[hbm:s11], [sflag:s6] =	dma.local @!p1 [spmem:s15], $0x100  }
0x65: {  	_ =	swait.ge @!p1 [sflag:s19], $0x100  }
0x66: {  	[sflag:s19] =	ssyncset.done @!p1 $0x0  }
0x67: {  	[sflag:s19] =	ssyncadd.s32 @!p1 $0xFFFFFF00  }
0x68: {  	_ =	sfence.sel $0x180000  }
0x69: {  	[bflag:$0x0] =	sbarrier.arrive $0xFFFF  }
0x6a: {  	_ =	strace $0x90000047  }
0x6b: {  	s0 =	sadd.s32 @!p1 $0x100000, s0;
	[bflag:$0x2] =	sbarrier.arrive $0xFFFF  }
0x6c: {  	[sflag:s0] =	ssyncadd.tile.s32 @!p1 $0x1;
	_ =	shalt  }
.Lfunc_end2:
_tile_overlayer_lowered:
.L_overlay_start_2:
0x6d: {  	(tag) =	ssettag $0x2  }
0x6e: {  	s0 =	rddreg [dreg:$0x0];
	s2 =	stileid.u32  }
0x6f: {  	s1 =	rddreg [dreg:$0x1];
	p0 =	sne.s32 s2, $0x0  }
0x70: {  	s3 =	rddreg [dreg:$0x2];
	[bflag:$0x3] =	sbarrier.arrive $0xFFFF;
	s2 =	simm.s32 @!p0 $0x1C02  }
0x71: {  	[timem:s3], [sflag:s2] =	dma.local @!p0 [hbm:s0], s1  }
0x72: {  	s0 =	simm.s32 @!p0 $0x2  }
0x73: {  	_ =	swait.ge @!p0 [sflag:s0], s1  }
0x74: {  	s1 =	ssub.s32 @!p0 $0x0, s1;
	[sflag:s0] =	ssyncset.done @!p0 $0x0  }
0x75: {  	[sflag:s0] =	ssyncadd.s32 @!p0 s1  }
0x76: {  	[bflag:$0x3] =	sbarrier.arrive $0xFFFF  }
0x77: {  	_ =	shalt  }

</sc_bundles>
